<compile_context>
chip_gen: v7x
topology: tpu7x:2x2x1
jax: 0.10.2.dev20260603
libtpu: 0.0.44.dev20260713+nightly
codegen_flags: <defaults>
</compile_context>

<pallas_src>
import functools

import jax
import jax.numpy as jnp
from jax import lax
from jax.experimental import pallas as pl
from jax.experimental.pallas import tpu as pltpu
from jax.experimental.pallas import tpu_sc as plsc

_V = 1_000_000
_D = 64
_NB = 16384
_S = 50
_NC = 2
_NS = 16
_D_PER_C = _D // _NC
_B_PER_T = _NB // _NS
_SG = 5
_NG = _S // _SG
_IDXW = _S * _B_PER_T
_GW = _SG * _B_PER_T

_mesh = plsc.VectorSubcoreMesh(core_axis_name="c", subcore_axis_name="s")


@functools.partial(
    pl.kernel,
    mesh=_mesh,
    out_type=jax.ShapeDtypeStruct((_S, _D, _NB), jnp.float32),
    scratch_types=[
        pltpu.VMEM((1, _IDXW), jnp.int32),
        pltpu.VMEM((1, _GW), jnp.float32),
        pltpu.VMEM((1, _GW), jnp.float32),
        pltpu.VMEM_SHARED((1, _V), jnp.float32),
        pltpu.SemaphoreType.DMA,
        pltpu.SemaphoreType.DMA,
        pltpu.SemaphoreType.DMA,
        pltpu.SemaphoreType.DMA,
        pltpu.SemaphoreType.DMA,
    ],
)
def _emb_lookup(idx_hbm, wt_hbm, out_hbm, idx_v, gbuf0, gbuf1,
                row, sem_sa, sem_g, sem_g1, sem_t0, sem_t1):
    cid = lax.axis_index("c")
    tid = lax.axis_index("s")
    d_base = cid * _D_PER_C
    b0 = tid * _B_PER_T

    gbufs = (gbuf0, gbuf1)
    sem_ts = (sem_t0, sem_t1)

    for s in range(_S):
        pltpu.async_copy(idx_hbm.at[:, pl.ds(s * _NB + b0, _B_PER_T)],
                         idx_v.at[:, pl.ds(s * _B_PER_T, _B_PER_T)],
                         sem_g)
    pltpu.make_async_copy(idx_hbm.at[:, pl.ds(0, _IDXW)], idx_v,
                          sem_g).wait()

    def stage(j, row, sem):
        pltpu.async_copy(wt_hbm.at[pl.ds(d_base + j, 1), :], row, sem)

    def wait_stage(row, sem):
        pltpu.make_async_copy(wt_hbm.at[pl.ds(0, 1), :], row, sem).wait()

    def body(j, carry):
        @pl.when(tid == 0)
        def _():
            stage(j, row, sem_sa)
            wait_stage(row, sem_sa)
        plsc.subcore_barrier()
        dd = d_base + j
        sem_gs = (sem_g, sem_g1)

        def drain_store(h):
            pltpu.make_async_copy(
                wt_hbm.at[pl.ds(0, 1), pl.ds(0, _GW)],
                gbufs[h], sem_ts[h]).wait()

        def fire_gather(g, h):
            pltpu.async_copy(
                row.at[idx_v.at[:, pl.ds(g * _GW, _GW)]],
                gbufs[h], sem_gs[h])

        def wait_gather(h):
            pltpu.make_async_copy(
                wt_hbm.at[pl.ds(0, 1), pl.ds(0, _GW)],
                gbufs[h], sem_gs[h]).wait()

        def fire_store(g, h):
            pltpu.async_copy(
                gbufs[h].reshape(_SG, _B_PER_T),
                out_hbm.at[pl.ds(g * _SG, _SG), dd,
                           pl.ds(b0, _B_PER_T)],
                sem_ts[h])

        @pl.when(j >= 1)
        def _():
            drain_store(0)
        fire_gather(0, 0)
        for g in range(_NG):
            h = g % 2
            if g + 1 < _NG:
                nh = 1 - h
                if g + 1 >= 2:
                    drain_store(nh)
                else:
                    @pl.when(j >= 1)
                    def _():
                        drain_store(nh)
                fire_gather(g + 1, nh)
            wait_gather(h)
            fire_store(g, h)

    def body_with_tail_barrier(j, carry):
        body(j, carry)
        plsc.subcore_barrier()
        return carry

    lax.fori_loop(0, _D_PER_C, body_with_tail_barrier, 0)

    for h in range(2):
        pltpu.make_async_copy(
            wt_hbm.at[pl.ds(0, 1), pl.ds(0, _GW)],
            gbufs[h], sem_ts[h]).wait()


def kernel(token_ids, weight):
    idx_flat = token_ids.T.reshape(1, _S * _NB)
    out_t = _emb_lookup(idx_flat, weight.T)
    return jnp.transpose(out_t, (2, 0, 1))

# --- scband reference (transcript-rebuilt; emitter-appended) ---
"""Pipeline reference for scband-embedding-26491358281762 (READ-ONLY COPY).

The authoritative reference and input builder live on the scoring server;
editing this copy changes nothing except your own understanding.
"""

import jax, jax.numpy as jnp
import numpy as np

NUM_EMBEDDINGS = 1000000
EMBEDDING_DIM = 64

def _trunc_normal(key, shape, mean=0.0, std=1.0, a=-3.0, b=-(-3.0)):
    # truncated normal in [a, b] with given mean/std (a=-3, b=3 here)
    u = jax.random.truncated_normal(key, -3.0, 3.0, shape, dtype=jnp.float32)
    return u * std + mean

def setup_inputs(seed: int = 0) -> dict:
    key = jax.random.key(seed)
    k_idx, k_w = jax.random.split(key)
    token_ids = jax.random.randint(k_idx, (16384, 50), 0, NUM_EMBEDDINGS, dtype=jnp.int64 if jax.config.read('jax_enable_x64') else jnp.int32)
    weight = _trunc_normal(k_w, (NUM_EMBEDDINGS, EMBEDDING_DIM))
    return {"token_ids": token_ids, "weight": weight}

def reference(token_ids, weight):
    # Faithful translation of: return self.weight[token_ids]
    return jnp.take(weight, token_ids, axis=0)

if __name__ == "__main__":
    import jax
    _d = setup_inputs()
    print(jax.jit(kernel)(*tuple(_d.values())))

</pallas_src>

<mosaic_0001>
#map = affine_map<(d0, d1) -> (0, 0)>
#map1 = affine_map<(d0, d1) -> (0, 0, 0)>
module attributes {stable_mosaic.version = 14 : i64} {
  func.func @_emb_lookup(%arg0: i32, %arg1: i32, %arg2: memref<1x819200xi32, #tpu.memory_space<hbm>>, %arg3: memref<64x1000000xf32, #tpu.memory_space<hbm>>, %arg4: memref<50x64x16384xf32, #tpu.memory_space<hbm>>, %arg5: memref<1x51200xi32, #tpu.memory_space<vmem>>, %arg6: memref<1x5120xf32, #tpu.memory_space<vmem>>, %arg7: memref<1x5120xf32, #tpu.memory_space<vmem>>, %arg8: memref<1x1000000xf32, #tpu.memory_space<vmem_shared>>, %arg9: memref<!tpu.dma_semaphore, #tpu.memory_space<semaphore_mem>>, %arg10: memref<!tpu.dma_semaphore, #tpu.memory_space<semaphore_mem>>, %arg11: memref<!tpu.dma_semaphore, #tpu.memory_space<semaphore_mem>>, %arg12: memref<!tpu.dma_semaphore, #tpu.memory_space<semaphore_mem>>, %arg13: memref<!tpu.dma_semaphore, #tpu.memory_space<semaphore_mem>>) attributes {dimension_semantics = [#tpu.dimension_semantics<core_parallel>, #tpu.dimension_semantics<subcore_parallel>], iteration_bounds = array<i64: 2, 16>, scalar_prefetch = 0 : i64, scratch_operands = 9 : i64, tpu.core_type = #tpu.core_type<sc_vector_subcore>, window_params = [{transform_indices = #map}, {transform_indices = #map}, {transform_indices = #map1}]} {
    %mul3A = arith.constant 32 : i32
    %mul3A_0 = arith.muli %arg0, %mul3A : i32
    %mul3A_1 = arith.constant 1024 : i32
    %mul3A_2 = arith.muli %arg1, %mul3A_1 : i32
    %add3A = arith.constant 0 : i32
    %add3A_3 = arith.addi %add3A, %mul3A_2 : i32
    %dma_start3A = arith.constant 0 : i32
    %dma_start3A_4 = arith.constant 0 : i32
    %dma_start3A_5 = tpu.memref_slice %arg5[%dma_start3A, %dma_start3A_4] : memref<1x51200xi32, #tpu.memory_space<vmem>> -> memref<1x1024xi32, #tpu.memory_space<vmem>>
    %dma_start3A_6 = arith.constant 0 : i32
    %dma_start3A_7 = tpu.memref_slice %arg2[%dma_start3A_6, %add3A_3] : memref<1x819200xi32, #tpu.memory_space<hbm>> -> memref<1x1024xi32, #tpu.memory_space<hbm>>
    %dma_start3A_8 = arith.constant 0 : i32
    %dma_start3A_9 = arith.constant 0 : i32
    %dma_start3A_10 = tpu.memref_slice %arg5[%dma_start3A_8, %dma_start3A_9] : memref<1x51200xi32, #tpu.memory_space<vmem>> -> memref<1x1024xi32, #tpu.memory_space<vmem>>
    %dma_start3A_11 = arith.constant 0 : i32
    %dma_start3A_12 = tpu.memref_slice %arg2[%dma_start3A_11, %add3A_3] : memref<1x819200xi32, #tpu.memory_space<hbm>> -> memref<1x1024xi32, #tpu.memory_space<hbm>>
    tpu.enqueue_dma source(%dma_start3A_12 : memref<1x1024xi32, #tpu.memory_space<hbm>>) target(%dma_start3A_10 : memref<1x1024xi32, #tpu.memory_space<vmem>>) target_semaphore(%arg10 : memref<!tpu.dma_semaphore, #tpu.memory_space<semaphore_mem>>)
    %add3A_13 = arith.constant 16384 : i32
    %add3A_14 = arith.addi %add3A_13, %mul3A_2 : i32
    %dma_start3A_15 = arith.constant 0 : i32
    %dma_start3A_16 = arith.constant 1024 : i32
    %dma_start3A_17 = tpu.memref_slice %arg5[%dma_start3A_15, %dma_start3A_16] : memref<1x51200xi32, #tpu.memory_space<vmem>> -> memref<1x1024xi32, #tpu.memory_space<vmem>>
    %dma_start3A_18 = arith.constant 0 : i32
    %dma_start3A_19 = tpu.memref_slice %arg2[%dma_start3A_18, %add3A_14] : memref<1x819200xi32, #tpu.memory_space<hbm>> -> memref<1x1024xi32, #tpu.memory_space<hbm>>
    %dma_start3A_20 = arith.constant 0 : i32
    %dma_start3A_21 = arith.constant 1024 : i32
    %dma_start3A_22 = tpu.memref_slice %arg5[%dma_start3A_20, %dma_start3A_21] : memref<1x51200xi32, #tpu.memory_space<vmem>> -> memref<1x1024xi32, #tpu.memory_space<vmem>>
    %dma_start3A_23 = arith.constant 0 : i32
    %dma_start3A_24 = tpu.memref_slice %arg2[%dma_start3A_23, %add3A_14] : memref<1x819200xi32, #tpu.memory_space<hbm>> -> memref<1x1024xi32, #tpu.memory_space<hbm>>
    tpu.enqueue_dma source(%dma_start3A_24 : memref<1x1024xi32, #tpu.memory_space<hbm>>) target(%dma_start3A_22 : memref<1x1024xi32, #tpu.memory_space<vmem>>) target_semaphore(%arg10 : memref<!tpu.dma_semaphore, #tpu.memory_space<semaphore_mem>>)
    %add3A_25 = arith.constant 32768 : i32
    %add3A_26 = arith.addi %add3A_25, %mul3A_2 : i32
    %dma_start3A_27 = arith.constant 0 : i32
    %dma_start3A_28 = arith.constant 2048 : i32
    %dma_start3A_29 = tpu.memref_slice %arg5[%dma_start3A_27, %dma_start3A_28] : memref<1x51200xi32, #tpu.memory_space<vmem>> -> memref<1x1024xi32, #tpu.memory_space<vmem>>
    %dma_start3A_30 = arith.constant 0 : i32
    %dma_start3A_31 = tpu.memref_slice %arg2[%dma_start3A_30, %add3A_26] : memref<1x819200xi32, #tpu.memory_space<hbm>> -> memref<1x1024xi32, #tpu.memory_space<hbm>>
    %dma_start3A_32 = arith.constant 0 : i32
    %dma_start3A_33 = arith.constant 2048 : i32
    %dma_start3A_34 = tpu.memref_slice %arg5[%dma_start3A_32, %dma_start3A_33] : memref<1x51200xi32, #tpu.memory_space<vmem>> -> memref<1x1024xi32, #tpu.memory_space<vmem>>
    %dma_start3A_35 = arith.constant 0 : i32
    %dma_start3A_36 = tpu.memref_slice %arg2[%dma_start3A_35, %add3A_26] : memref<1x819200xi32, #tpu.memory_space<hbm>> -> memref<1x1024xi32, #tpu.memory_space<hbm>>
    tpu.enqueue_dma source(%dma_start3A_36 : memref<1x1024xi32, #tpu.memory_space<hbm>>) target(%dma_start3A_34 : memref<1x1024xi32, #tpu.memory_space<vmem>>) target_semaphore(%arg10 : memref<!tpu.dma_semaphore, #tpu.memory_space<semaphore_mem>>)
    %add3A_37 = arith.constant 49152 : i32
    %add3A_38 = arith.addi %add3A_37, %mul3A_2 : i32
    %dma_start3A_39 = arith.constant 0 : i32
    %dma_start3A_40 = arith.constant 3072 : i32
    %dma_start3A_41 = tpu.memref_slice %arg5[%dma_start3A_39, %dma_start3A_40] : memref<1x51200xi32, #tpu.memory_space<vmem>> -> memref<1x1024xi32, #tpu.memory_space<vmem>>
    %dma_start3A_42 = arith.constant 0 : i32
    %dma_start3A_43 = tpu.memref_slice %arg2[%dma_start3A_42, %add3A_38] : memref<1x819200xi32, #tpu.memory_space<hbm>> -> memref<1x1024xi32, #tpu.memory_space<hbm>>
    %dma_start3A_44 = arith.constant 0 : i32
    %dma_start3A_45 = arith.constant 3072 : i32
    %dma_start3A_46 = tpu.memref_slice %arg5[%dma_start3A_44, %dma_start3A_45] : memref<1x51200xi32, #tpu.memory_space<vmem>> -> memref<1x1024xi32, #tpu.memory_space<vmem>>
    %dma_start3A_47 = arith.constant 0 : i32
    %dma_start3A_48 = tpu.memref_slice %arg2[%dma_start3A_47, %add3A_38] : memref<1x819200xi32, #tpu.memory_space<hbm>> -> memref<1x1024xi32, #tpu.memory_space<hbm>>
    tpu.enqueue_dma source(%dma_start3A_48 : memref<1x1024xi32, #tpu.memory_space<hbm>>) target(%dma_start3A_46 : memref<1x1024xi32, #tpu.memory_space<vmem>>) target_semaphore(%arg10 : memref<!tpu.dma_semaphore, #tpu.memory_space<semaphore_mem>>)
    %add3A_49 = arith.constant 65536 : i32
    %add3A_50 = arith.addi %add3A_49, %mul3A_2 : i32
    %dma_start3A_51 = arith.constant 0 : i32
    %dma_start3A_52 = arith.constant 4096 : i32
    %dma_start3A_53 = tpu.memref_slice %arg5[%dma_start3A_51, %dma_start3A_52] : memref<1x51200xi32, #tpu.memory_space<vmem>> -> memref<1x1024xi32, #tpu.memory_space<vmem>>
    %dma_start3A_54 = arith.constant 0 : i32
    %dma_start3A_55 = tpu.memref_slice %arg2[%dma_start3A_54, %add3A_50] : memref<1x819200xi32, #tpu.memory_space<hbm>> -> memref<1x1024xi32, #tpu.memory_space<hbm>>
    %dma_start3A_56 = arith.constant 0 : i32
    %dma_start3A_57 = arith.constant 4096 : i32
    %dma_start3A_58 = tpu.memref_slice %arg5[%dma_start3A_56, %dma_start3A_57] : memref<1x51200xi32, #tpu.memory_space<vmem>> -> memref<1x1024xi32, #tpu.memory_space<vmem>>
    %dma_start3A_59 = arith.constant 0 : i32
    %dma_start3A_60 = tpu.memref_slice %arg2[%dma_start3A_59, %add3A_50] : memref<1x819200xi32, #tpu.memory_space<hbm>> -> memref<1x1024xi32, #tpu.memory_space<hbm>>
    tpu.enqueue_dma source(%dma_start3A_60 : memref<1x1024xi32, #tpu.memory_space<hbm>>) target(%dma_start3A_58 : memref<1x1024xi32, #tpu.memory_space<vmem>>) target_semaphore(%arg10 : memref<!tpu.dma_semaphore, #tpu.memory_space<semaphore_mem>>)
    %add3A_61 = arith.constant 81920 : i32
    %add3A_62 = arith.addi %add3A_61, %mul3A_2 : i32
    %dma_start3A_63 = arith.constant 0 : i32
    %dma_start3A_64 = arith.constant 5120 : i32
    %dma_start3A_65 = tpu.memref_slice %arg5[%dma_start3A_63, %dma_start3A_64] : memref<1x51200xi32, #tpu.memory_space<vmem>> -> memref<1x1024xi32, #tpu.memory_space<vmem>>
    %dma_start3A_66 = arith.constant 0 : i32
    %dma_start3A_67 = tpu.memref_slice %arg2[%dma_start3A_66, %add3A_62] : memref<1x819200xi32, #tpu.memory_space<hbm>> -> memref<1x1024xi32, #tpu.memory_space<hbm>>
    %dma_start3A_68 = arith.constant 0 : i32
    %dma_start3A_69 = arith.constant 5120 : i32
    %dma_start3A_70 = tpu.memref_slice %arg5[%dma_start3A_68, %dma_start3A_69] : memref<1x51200xi32, #tpu.memory_space<vmem>> -> memref<1x1024xi32, #tpu.memory_space<vmem>>
    %dma_start3A_71 = arith.constant 0 : i32
    %dma_start3A_72 = tpu.memref_slice %arg2[%dma_start3A_71, %add3A_62] : memref<1x819200xi32, #tpu.memory_space<hbm>> -> memref<1x1024xi32, #tpu.memory_space<hbm>>
    tpu.enqueue_dma source(%dma_start3A_72 : memref<1x1024xi32, #tpu.memory_space<hbm>>) target(%dma_start3A_70 : memref<1x1024xi32, #tpu.memory_space<vmem>>) target_semaphore(%arg10 : memref<!tpu.dma_semaphore, #tpu.memory_space<semaphore_mem>>)
    %add3A_73 = arith.constant 98304 : i32
    %add3A_74 = arith.addi %add3A_73, %mul3A_2 : i32
    %dma_start3A_75 = arith.constant 0 : i32
    %dma_start3A_76 = arith.constant 6144 : i32
    %dma_start3A_77 = tpu.memref_slice %arg5[%dma_start3A_75, %dma_start3A_76] : memref<1x51200xi32, #tpu.memory_space<vmem>> -> memref<1x1024xi32, #tpu.memory_space<vmem>>
    %dma_start3A_78 = arith.constant 0 : i32
    %dma_start3A_79 = tpu.memref_slice %arg2[%dma_start3A_78, %add3A_74] : memref<1x819200xi32, #tpu.memory_space<hbm>> -> memref<1x1024xi32, #tpu.memory_space<hbm>>
    %dma_start3A_80 = arith.constant 0 : i32
    %dma_start3A_81 = arith.constant 6144 : i32
    %dma_start3A_82 = tpu.memref_slice %arg5[%dma_start3A_80, %dma_start3A_81] : memref<1x51200xi32, #tpu.memory_space<vmem>> -> memref<1x1024xi32, #tpu.memory_space<vmem>>
    %dma_start3A_83 = arith.constant 0 : i32
    %dma_start3A_84 = tpu.memref_slice %arg2[%dma_start3A_83, %add3A_74] : memref<1x819200xi32, #tpu.memory_space<hbm>> -> memref<1x1024xi32, #tpu.memory_space<hbm>>
    tpu.enqueue_dma source(%dma_start3A_84 : memref<1x1024xi32, #tpu.memory_space<hbm>>) target(%dma_start3A_82 : memref<1x1024xi32, #tpu.memory_space<vmem>>) target_semaphore(%arg10 : memref<!tpu.dma_semaphore, #tpu.memory_space<semaphore_mem>>)
    %add3A_85 = arith.constant 114688 : i32
    %add3A_86 = arith.addi %add3A_85, %mul3A_2 : i32
    %dma_start3A_87 = arith.constant 0 : i32
    %dma_start3A_88 = arith.constant 7168 : i32
    %dma_start3A_89 = tpu.memref_slice %arg5[%dma_start3A_87, %dma_start3A_88] : memref<1x51200xi32, #tpu.memory_space<vmem>> -> memref<1x1024xi32, #tpu.memory_space<vmem>>
    %dma_start3A_90 = arith.constant 0 : i32
    %dma_start3A_91 = tpu.memref_slice %arg2[%dma_start3A_90, %add3A_86] : memref<1x819200xi32, #tpu.memory_space<hbm>> -> memref<1x1024xi32, #tpu.memory_space<hbm>>
    %dma_start3A_92 = arith.constant 0 : i32
    %dma_start3A_93 = arith.constant 7168 : i32
    %dma_start3A_94 = tpu.memref_slice %arg5[%dma_start3A_92, %dma_start3A_93] : memref<1x51200xi32, #tpu.memory_space<vmem>> -> memref<1x1024xi32, #tpu.memory_space<vmem>>
    %dma_start3A_95 = arith.constant 0 : i32
    %dma_start3A_96 = tpu.memref_slice %arg2[%dma_start3A_95, %add3A_86] : memref<1x819200xi32, #tpu.memory_space<hbm>> -> memref<1x1024xi32, #tpu.memory_space<hbm>>
    tpu.enqueue_dma source(%dma_start3A_96 : memref<1x1024xi32, #tpu.memory_space<hbm>>) target(%dma_start3A_94 : memref<1x1024xi32, #tpu.memory_space<vmem>>) target_semaphore(%arg10 : memref<!tpu.dma_semaphore, #tpu.memory_space<semaphore_mem>>)
    %add3A_97 = arith.constant 131072 : i32
    %add3A_98 = arith.addi %add3A_97, %mul3A_2 : i32
    %dma_start3A_99 = arith.constant 0 : i32
    %dma_start3A_100 = arith.constant 8192 : i32
    %dma_start3A_101 = tpu.memref_slice %arg5[%dma_start3A_99, %dma_start3A_100] : memref<1x51200xi32, #tpu.memory_space<vmem>> -> memref<1x1024xi32, #tpu.memory_space<vmem>>
    %dma_start3A_102 = arith.constant 0 : i32
    %dma_start3A_103 = tpu.memref_slice %arg2[%dma_start3A_102, %add3A_98] : memref<1x819200xi32, #tpu.memory_space<hbm>> -> memref<1x1024xi32, #tpu.memory_space<hbm>>
    %dma_start3A_104 = arith.constant 0 : i32
    %dma_start3A_105 = arith.constant 8192 : i32
    %dma_start3A_106 = tpu.memref_slice %arg5[%dma_start3A_104, %dma_start3A_105] : memref<1x51200xi32, #tpu.memory_space<vmem>> -> memref<1x1024xi32, #tpu.memory_space<vmem>>
    %dma_start3A_107 = arith.constant 0 : i32
    %dma_start3A_108 = tpu.memref_slice %arg2[%dma_start3A_107, %add3A_98] : memref<1x819200xi32, #tpu.memory_space<hbm>> -> memref<1x1024xi32, #tpu.memory_space<hbm>>
    tpu.enqueue_dma source(%dma_start3A_108 : memref<1x1024xi32, #tpu.memory_space<hbm>>) target(%dma_start3A_106 : memref<1x1024xi32, #tpu.memory_space<vmem>>) target_semaphore(%arg10 : memref<!tpu.dma_semaphore, #tpu.memory_space<semaphore_mem>>)
    %add3A_109 = arith.constant 147456 : i32
    %add3A_110 = arith.addi %add3A_109, %mul3A_2 : i32
    %dma_start3A_111 = arith.constant 0 : i32
    %dma_start3A_112 = arith.constant 9216 : i32
    %dma_start3A_113 = tpu.memref_slice %arg5[%dma_start3A_111, %dma_start3A_112] : memref<1x51200xi32, #tpu.memory_space<vmem>> -> memref<1x1024xi32, #tpu.memory_space<vmem>>
    %dma_start3A_114 = arith.constant 0 : i32
    %dma_start3A_115 = tpu.memref_slice %arg2[%dma_start3A_114, %add3A_110] : memref<1x819200xi32, #tpu.memory_space<hbm>> -> memref<1x1024xi32, #tpu.memory_space<hbm>>
    %dma_start3A_116 = arith.constant 0 : i32
    %dma_start3A_117 = arith.constant 9216 : i32
    %dma_start3A_118 = tpu.memref_slice %arg5[%dma_start3A_116, %dma_start3A_117] : memref<1x51200xi32, #tpu.memory_space<vmem>> -> memref<1x1024xi32, #tpu.memory_space<vmem>>
    %dma_start3A_119 = arith.constant 0 : i32
    %dma_start3A_120 = tpu.memref_slice %arg2[%dma_start3A_119, %add3A_110] : memref<1x819200xi32, #tpu.memory_space<hbm>> -> memref<1x1024xi32, #tpu.memory_space<hbm>>
    tpu.enqueue_dma source(%dma_start3A_120 : memref<1x1024xi32, #tpu.memory_space<hbm>>) target(%dma_start3A_118 : memref<1x1024xi32, #tpu.memory_space<vmem>>) target_semaphore(%arg10 : memref<!tpu.dma_semaphore, #tpu.memory_space<semaphore_mem>>)
    %add3A_121 = arith.constant 163840 : i32
    %add3A_122 = arith.addi %add3A_121, %mul3A_2 : i32
    %dma_start3A_123 = arith.constant 0 : i32
    %dma_start3A_124 = arith.constant 10240 : i32
    %dma_start3A_125 = tpu.memref_slice %arg5[%dma_start3A_123, %dma_start3A_124] : memref<1x51200xi32, #tpu.memory_space<vmem>> -> memref<1x1024xi32, #tpu.memory_space<vmem>>
    %dma_start3A_126 = arith.constant 0 : i32
    %dma_start3A_127 = tpu.memref_slice %arg2[%dma_start3A_126, %add3A_122] : memref<1x819200xi32, #tpu.memory_space<hbm>> -> memref<1x1024xi32, #tpu.memory_space<hbm>>
    %dma_start3A_128 = arith.constant 0 : i32
    %dma_start3A_129 = arith.constant 10240 : i32
    %dma_start3A_130 = tpu.memref_slice %arg5[%dma_start3A_128, %dma_start3A_129] : memref<1x51200xi32, #tpu.memory_space<vmem>> -> memref<1x1024xi32, #tpu.memory_space<vmem>>
    %dma_start3A_131 = arith.constant 0 : i32
    %dma_start3A_132 = tpu.memref_slice %arg2[%dma_start3A_131, %add3A_122] : memref<1x819200xi32, #tpu.memory_space<hbm>> -> memref<1x1024xi32, #tpu.memory_space<hbm>>
    tpu.enqueue_dma source(%dma_start3A_132 : memref<1x1024xi32, #tpu.memory_space<hbm>>) target(%dma_start3A_130 : memref<1x1024xi32, #tpu.memory_space<vmem>>) target_semaphore(%arg10 : memref<!tpu.dma_semaphore, #tpu.memory_space<semaphore_mem>>)
    %add3A_133 = arith.constant 180224 : i32
    %add3A_134 = arith.addi %add3A_133, %mul3A_2 : i32
    %dma_start3A_135 = arith.constant 0 : i32
    %dma_start3A_136 = arith.constant 11264 : i32
    %dma_start3A_137 = tpu.memref_slice %arg5[%dma_start3A_135, %dma_start3A_136] : memref<1x51200xi32, #tpu.memory_space<vmem>> -> memref<1x1024xi32, #tpu.memory_space<vmem>>
    %dma_start3A_138 = arith.constant 0 : i32
    %dma_start3A_139 = tpu.memref_slice %arg2[%dma_start3A_138, %add3A_134] : memref<1x819200xi32, #tpu.memory_space<hbm>> -> memref<1x1024xi32, #tpu.memory_space<hbm>>
    %dma_start3A_140 = arith.constant 0 : i32
    %dma_start3A_141 = arith.constant 11264 : i32
    %dma_start3A_142 = tpu.memref_slice %arg5[%dma_start3A_140, %dma_start3A_141] : memref<1x51200xi32, #tpu.memory_space<vmem>> -> memref<1x1024xi32, #tpu.memory_space<vmem>>
    %dma_start3A_143 = arith.constant 0 : i32
    %dma_start3A_144 = tpu.memref_slice %arg2[%dma_start3A_143, %add3A_134] : memref<1x819200xi32, #tpu.memory_space<hbm>> -> memref<1x1024xi32, #tpu.memory_space<hbm>>
    tpu.enqueue_dma source(%dma_start3A_144 : memref<1x1024xi32, #tpu.memory_space<hbm>>) target(%dma_start3A_142 : memref<1x1024xi32, #tpu.memory_space<vmem>>) target_semaphore(%arg10 : memref<!tpu.dma_semaphore, #tpu.memory_space<semaphore_mem>>)
    %add3A_145 = arith.constant 196608 : i32
    %add3A_146 = arith.addi %add3A_145, %mul3A_2 : i32
    %dma_start3A_147 = arith.constant 0 : i32
    %dma_start3A_148 = arith.constant 12288 : i32
    %dma_start3A_149 = tpu.memref_slice %arg5[%dma_start3A_147, %dma_start3A_148] : memref<1x51200xi32, #tpu.memory_space<vmem>> -> memref<1x1024xi32, #tpu.memory_space<vmem>>
    %dma_start3A_150 = arith.constant 0 : i32
    %dma_start3A_151 = tpu.memref_slice %arg2[%dma_start3A_150, %add3A_146] : memref<1x819200xi32, #tpu.memory_space<hbm>> -> memref<1x1024xi32, #tpu.memory_space<hbm>>
    %dma_start3A_152 = arith.constant 0 : i32
    %dma_start3A_153 = arith.constant 12288 : i32
    %dma_start3A_154 = tpu.memref_slice %arg5[%dma_start3A_152, %dma_start3A_153] : memref<1x51200xi32, #tpu.memory_space<vmem>> -> memref<1x1024xi32, #tpu.memory_space<vmem>>
    %dma_start3A_155 = arith.constant 0 : i32
    %dma_start3A_156 = tpu.memref_slice %arg2[%dma_start3A_155, %add3A_146] : memref<1x819200xi32, #tpu.memory_space<hbm>> -> memref<1x1024xi32, #tpu.memory_space<hbm>>
    tpu.enqueue_dma source(%dma_start3A_156 : memref<1x1024xi32, #tpu.memory_space<hbm>>) target(%dma_start3A_154 : memref<1x1024xi32, #tpu.memory_space<vmem>>) target_semaphore(%arg10 : memref<!tpu.dma_semaphore, #tpu.memory_space<semaphore_mem>>)
    %add3A_157 = arith.constant 212992 : i32
    %add3A_158 = arith.addi %add3A_157, %mul3A_2 : i32
    %dma_start3A_159 = arith.constant 0 : i32
    %dma_start3A_160 = arith.constant 13312 : i32
    %dma_start3A_161 = tpu.memref_slice %arg5[%dma_start3A_159, %dma_start3A_160] : memref<1x51200xi32, #tpu.memory_space<vmem>> -> memref<1x1024xi32, #tpu.memory_space<vmem>>
    %dma_start3A_162 = arith.constant 0 : i32
    %dma_start3A_163 = tpu.memref_slice %arg2[%dma_start3A_162, %add3A_158] : memref<1x819200xi32, #tpu.memory_space<hbm>> -> memref<1x1024xi32, #tpu.memory_space<hbm>>
    %dma_start3A_164 = arith.constant 0 : i32
    %dma_start3A_165 = arith.constant 13312 : i32
    %dma_start3A_166 = tpu.memref_slice %arg5[%dma_start3A_164, %dma_start3A_165] : memref<1x51200xi32, #tpu.memory_space<vmem>> -> memref<1x1024xi32, #tpu.memory_space<vmem>>
    %dma_start3A_167 = arith.constant 0 : i32
    %dma_start3A_168 = tpu.memref_slice %arg2[%dma_start3A_167, %add3A_158] : memref<1x819200xi32, #tpu.memory_space<hbm>> -> memref<1x1024xi32, #tpu.memory_space<hbm>>
    tpu.enqueue_dma source(%dma_start3A_168 : memref<1x1024xi32, #tpu.memory_space<hbm>>) target(%dma_start3A_166 : memref<1x1024xi32, #tpu.memory_space<vmem>>) target_semaphore(%arg10 : memref<!tpu.dma_semaphore, #tpu.memory_space<semaphore_mem>>)
    %add3A_169 = arith.constant 229376 : i32
    %add3A_170 = arith.addi %add3A_169, %mul3A_2 : i32
    %dma_start3A_171 = arith.constant 0 : i32
    %dma_start3A_172 = arith.constant 14336 : i32
    %dma_start3A_173 = tpu.memref_slice %arg5[%dma_start3A_171, %dma_start3A_172] : memref<1x51200xi32, #tpu.memory_space<vmem>> -> memref<1x1024xi32, #tpu.memory_space<vmem>>
    %dma_start3A_174 = arith.constant 0 : i32
    %dma_start3A_175 = tpu.memref_slice %arg2[%dma_start3A_174, %add3A_170] : memref<1x819200xi32, #tpu.memory_space<hbm>> -> memref<1x1024xi32, #tpu.memory_space<hbm>>
    %dma_start3A_176 = arith.constant 0 : i32
    %dma_start3A_177 = arith.constant 14336 : i32
    %dma_start3A_178 = tpu.memref_slice %arg5[%dma_start3A_176, %dma_start3A_177] : memref<1x51200xi32, #tpu.memory_space<vmem>> -> memref<1x1024xi32, #tpu.memory_space<vmem>>
    %dma_start3A_179 = arith.constant 0 : i32
    %dma_start3A_180 = tpu.memref_slice %arg2[%dma_start3A_179, %add3A_170] : memref<1x819200xi32, #tpu.memory_space<hbm>> -> memref<1x1024xi32, #tpu.memory_space<hbm>>
    tpu.enqueue_dma source(%dma_start3A_180 : memref<1x1024xi32, #tpu.memory_space<hbm>>) target(%dma_start3A_178 : memref<1x1024xi32, #tpu.memory_space<vmem>>) target_semaphore(%arg10 : memref<!tpu.dma_semaphore, #tpu.memory_space<semaphore_mem>>)
    %add3A_181 = arith.constant 245760 : i32
    %add3A_182 = arith.addi %add3A_181, %mul3A_2 : i32
    %dma_start3A_183 = arith.constant 0 : i32
    %dma_start3A_184 = arith.constant 15360 : i32
    %dma_start3A_185 = tpu.memref_slice %arg5[%dma_start3A_183, %dma_start3A_184] : memref<1x51200xi32, #tpu.memory_space<vmem>> -> memref<1x1024xi32, #tpu.memory_space<vmem>>
    %dma_start3A_186 = arith.constant 0 : i32
    %dma_start3A_187 = tpu.memref_slice %arg2[%dma_start3A_186, %add3A_182] : memref<1x819200xi32, #tpu.memory_space<hbm>> -> memref<1x1024xi32, #tpu.memory_space<hbm>>
    %dma_start3A_188 = arith.constant 0 : i32
    %dma_start3A_189 = arith.constant 15360 : i32
    %dma_start3A_190 = tpu.memref_slice %arg5[%dma_start3A_188, %dma_start3A_189] : memref<1x51200xi32, #tpu.memory_space<vmem>> -> memref<1x1024xi32, #tpu.memory_space<vmem>>
    %dma_start3A_191 = arith.constant 0 : i32
    %dma_start3A_192 = tpu.memref_slice %arg2[%dma_start3A_191, %add3A_182] : memref<1x819200xi32, #tpu.memory_space<hbm>> -> memref<1x1024xi32, #tpu.memory_space<hbm>>
    tpu.enqueue_dma source(%dma_start3A_192 : memref<1x1024xi32, #tpu.memory_space<hbm>>) target(%dma_start3A_190 : memref<1x1024xi32, #tpu.memory_space<vmem>>) target_semaphore(%arg10 : memref<!tpu.dma_semaphore, #tpu.memory_space<semaphore_mem>>)
    %add3A_193 = arith.constant 262144 : i32
    %add3A_194 = arith.addi %add3A_193, %mul3A_2 : i32
    %dma_start3A_195 = arith.constant 0 : i32
    %dma_start3A_196 = arith.constant 16384 : i32
    %dma_start3A_197 = tpu.memref_slice %arg5[%dma_start3A_195, %dma_start3A_196] : memref<1x51200xi32, #tpu.memory_space<vmem>> -> memref<1x1024xi32, #tpu.memory_space<vmem>>
    %dma_start3A_198 = arith.constant 0 : i32
    %dma_start3A_199 = tpu.memref_slice %arg2[%dma_start3A_198, %add3A_194] : memref<1x819200xi32, #tpu.memory_space<hbm>> -> memref<1x1024xi32, #tpu.memory_space<hbm>>
    %dma_start3A_200 = arith.constant 0 : i32
    %dma_start3A_201 = arith.constant 16384 : i32
    %dma_start3A_202 = tpu.memref_slice %arg5[%dma_start3A_200, %dma_start3A_201] : memref<1x51200xi32, #tpu.memory_space<vmem>> -> memref<1x1024xi32, #tpu.memory_space<vmem>>
    %dma_start3A_203 = arith.constant 0 : i32
    %dma_start3A_204 = tpu.memref_slice %arg2[%dma_start3A_203, %add3A_194] : memref<1x819200xi32, #tpu.memory_space<hbm>> -> memref<1x1024xi32, #tpu.memory_space<hbm>>
    tpu.enqueue_dma source(%dma_start3A_204 : memref<1x1024xi32, #tpu.memory_space<hbm>>) target(%dma_start3A_202 : memref<1x1024xi32, #tpu.memory_space<vmem>>) target_semaphore(%arg10 : memref<!tpu.dma_semaphore, #tpu.memory_space<semaphore_mem>>)
    %add3A_205 = arith.constant 278528 : i32
    %add3A_206 = arith.addi %add3A_205, %mul3A_2 : i32
    %dma_start3A_207 = arith.constant 0 : i32
    %dma_start3A_208 = arith.constant 17408 : i32
    %dma_start3A_209 = tpu.memref_slice %arg5[%dma_start3A_207, %dma_start3A_208] : memref<1x51200xi32, #tpu.memory_space<vmem>> -> memref<1x1024xi32, #tpu.memory_space<vmem>>
    %dma_start3A_210 = arith.constant 0 : i32
    %dma_start3A_211 = tpu.memref_slice %arg2[%dma_start3A_210, %add3A_206] : memref<1x819200xi32, #tpu.memory_space<hbm>> -> memref<1x1024xi32, #tpu.memory_space<hbm>>
    %dma_start3A_212 = arith.constant 0 : i32
    %dma_start3A_213 = arith.constant 17408 : i32
    %dma_start3A_214 = tpu.memref_slice %arg5[%dma_start3A_212, %dma_start3A_213] : memref<1x51200xi32, #tpu.memory_space<vmem>> -> memref<1x1024xi32, #tpu.memory_space<vmem>>
    %dma_start3A_215 = arith.constant 0 : i32
    %dma_start3A_216 = tpu.memref_slice %arg2[%dma_start3A_215, %add3A_206] : memref<1x819200xi32, #tpu.memory_space<hbm>> -> memref<1x1024xi32, #tpu.memory_space<hbm>>
    tpu.enqueue_dma source(%dma_start3A_216 : memref<1x1024xi32, #tpu.memory_space<hbm>>) target(%dma_start3A_214 : memref<1x1024xi32, #tpu.memory_space<vmem>>) target_semaphore(%arg10 : memref<!tpu.dma_semaphore, #tpu.memory_space<semaphore_mem>>)
    %add3A_217 = arith.constant 294912 : i32
    %add3A_218 = arith.addi %add3A_217, %mul3A_2 : i32
    %dma_start3A_219 = arith.constant 0 : i32
    %dma_start3A_220 = arith.constant 18432 : i32
    %dma_start3A_221 = tpu.memref_slice %arg5[%dma_start3A_219, %dma_start3A_220] : memref<1x51200xi32, #tpu.memory_space<vmem>> -> memref<1x1024xi32, #tpu.memory_space<vmem>>
    %dma_start3A_222 = arith.constant 0 : i32
    %dma_start3A_223 = tpu.memref_slice %arg2[%dma_start3A_222, %add3A_218] : memref<1x819200xi32, #tpu.memory_space<hbm>> -> memref<1x1024xi32, #tpu.memory_space<hbm>>
    %dma_start3A_224 = arith.constant 0 : i32
    %dma_start3A_225 = arith.constant 18432 : i32
    %dma_start3A_226 = tpu.memref_slice %arg5[%dma_start3A_224, %dma_start3A_225] : memref<1x51200xi32, #tpu.memory_space<vmem>> -> memref<1x1024xi32, #tpu.memory_space<vmem>>
    %dma_start3A_227 = arith.constant 0 : i32
    %dma_start3A_228 = tpu.memref_slice %arg2[%dma_start3A_227, %add3A_218] : memref<1x819200xi32, #tpu.memory_space<hbm>> -> memref<1x1024xi32, #tpu.memory_space<hbm>>
    tpu.enqueue_dma source(%dma_start3A_228 : memref<1x1024xi32, #tpu.memory_space<hbm>>) target(%dma_start3A_226 : memref<1x1024xi32, #tpu.memory_space<vmem>>) target_semaphore(%arg10 : memref<!tpu.dma_semaphore, #tpu.memory_space<semaphore_mem>>)
    %add3A_229 = arith.constant 311296 : i32
    %add3A_230 = arith.addi %add3A_229, %mul3A_2 : i32
    %dma_start3A_231 = arith.constant 0 : i32
    %dma_start3A_232 = arith.constant 19456 : i32
    %dma_start3A_233 = tpu.memref_slice %arg5[%dma_start3A_231, %dma_start3A_232] : memref<1x51200xi32, #tpu.memory_space<vmem>> -> memref<1x1024xi32, #tpu.memory_space<vmem>>
    %dma_start3A_234 = arith.constant 0 : i32
    %dma_start3A_235 = tpu.memref_slice %arg2[%dma_start3A_234, %add3A_230] : memref<1x819200xi32, #tpu.memory_space<hbm>> -> memref<1x1024xi32, #tpu.memory_space<hbm>>
    %dma_start3A_236 = arith.constant 0 : i32
    %dma_start3A_237 = arith.constant 19456 : i32
    %dma_start3A_238 = tpu.memref_slice %arg5[%dma_start3A_236, %dma_start3A_237] : memref<1x51200xi32, #tpu.memory_space<vmem>> -> memref<1x1024xi32, #tpu.memory_space<vmem>>
    %dma_start3A_239 = arith.constant 0 : i32
    %dma_start3A_240 = tpu.memref_slice %arg2[%dma_start3A_239, %add3A_230] : memref<1x819200xi32, #tpu.memory_space<hbm>> -> memref<1x1024xi32, #tpu.memory_space<hbm>>
    tpu.enqueue_dma source(%dma_start3A_240 : memref<1x1024xi32, #tpu.memory_space<hbm>>) target(%dma_start3A_238 : memref<1x1024xi32, #tpu.memory_space<vmem>>) target_semaphore(%arg10 : memref<!tpu.dma_semaphore, #tpu.memory_space<semaphore_mem>>)
    %add3A_241 = arith.constant 327680 : i32
    %add3A_242 = arith.addi %add3A_241, %mul3A_2 : i32
    %dma_start3A_243 = arith.constant 0 : i32
    %dma_start3A_244 = arith.constant 20480 : i32
    %dma_start3A_245 = tpu.memref_slice %arg5[%dma_start3A_243, %dma_start3A_244] : memref<1x51200xi32, #tpu.memory_space<vmem>> -> memref<1x1024xi32, #tpu.memory_space<vmem>>
    %dma_start3A_246 = arith.constant 0 : i32
    %dma_start3A_247 = tpu.memref_slice %arg2[%dma_start3A_246, %add3A_242] : memref<1x819200xi32, #tpu.memory_space<hbm>> -> memref<1x1024xi32, #tpu.memory_space<hbm>>
    %dma_start3A_248 = arith.constant 0 : i32
    %dma_start3A_249 = arith.constant 20480 : i32
    %dma_start3A_250 = tpu.memref_slice %arg5[%dma_start3A_248, %dma_start3A_249] : memref<1x51200xi32, #tpu.memory_space<vmem>> -> memref<1x1024xi32, #tpu.memory_space<vmem>>
    %dma_start3A_251 = arith.constant 0 : i32
    %dma_start3A_252 = tpu.memref_slice %arg2[%dma_start3A_251, %add3A_242] : memref<1x819200xi32, #tpu.memory_space<hbm>> -> memref<1x1024xi32, #tpu.memory_space<hbm>>
    tpu.enqueue_dma source(%dma_start3A_252 : memref<1x1024xi32, #tpu.memory_space<hbm>>) target(%dma_start3A_250 : memref<1x1024xi32, #tpu.memory_space<vmem>>) target_semaphore(%arg10 : memref<!tpu.dma_semaphore, #tpu.memory_space<semaphore_mem>>)
    %add3A_253 = arith.constant 344064 : i32
    %add3A_254 = arith.addi %add3A_253, %mul3A_2 : i32
    %dma_start3A_255 = arith.constant 0 : i32
    %dma_start3A_256 = arith.constant 21504 : i32
    %dma_start3A_257 = tpu.memref_slice %arg5[%dma_start3A_255, %dma_start3A_256] : memref<1x51200xi32, #tpu.memory_space<vmem>> -> memref<1x1024xi32, #tpu.memory_space<vmem>>
    %dma_start3A_258 = arith.constant 0 : i32
    %dma_start3A_259 = tpu.memref_slice %arg2[%dma_start3A_258, %add3A_254] : memref<1x819200xi32, #tpu.memory_space<hbm>> -> memref<1x1024xi32, #tpu.memory_space<hbm>>
    %dma_start3A_260 = arith.constant 0 : i32
    %dma_start3A_261 = arith.constant 21504 : i32
    %dma_start3A_262 = tpu.memref_slice %arg5[%dma_start3A_260, %dma_start3A_261] : memref<1x51200xi32, #tpu.memory_space<vmem>> -> memref<1x1024xi32, #tpu.memory_space<vmem>>
    %dma_start3A_263 = arith.constant 0 : i32
    %dma_start3A_264 = tpu.memref_slice %arg2[%dma_start3A_263, %add3A_254] : memref<1x819200xi32, #tpu.memory_space<hbm>> -> memref<1x1024xi32, #tpu.memory_space<hbm>>
    tpu.enqueue_dma source(%dma_start3A_264 : memref<1x1024xi32, #tpu.memory_space<hbm>>) target(%dma_start3A_262 : memref<1x1024xi32, #tpu.memory_space<vmem>>) target_semaphore(%arg10 : memref<!tpu.dma_semaphore, #tpu.memory_space<semaphore_mem>>)
    %add3A_265 = arith.constant 360448 : i32
    %add3A_266 = arith.addi %add3A_265, %mul3A_2 : i32
    %dma_start3A_267 = arith.constant 0 : i32
    %dma_start3A_268 = arith.constant 22528 : i32
    %dma_start3A_269 = tpu.memref_slice %arg5[%dma_start3A_267, %dma_start3A_268] : memref<1x51200xi32, #tpu.memory_space<vmem>> -> memref<1x1024xi32, #tpu.memory_space<vmem>>
    %dma_start3A_270 = arith.constant 0 : i32
    %dma_start3A_271 = tpu.memref_slice %arg2[%dma_start3A_270, %add3A_266] : memref<1x819200xi32, #tpu.memory_space<hbm>> -> memref<1x1024xi32, #tpu.memory_space<hbm>>
    %dma_start3A_272 = arith.constant 0 : i32
    %dma_start3A_273 = arith.constant 22528 : i32
    %dma_start3A_274 = tpu.memref_slice %arg5[%dma_start3A_272, %dma_start3A_273] : memref<1x51200xi32, #tpu.memory_space<vmem>> -> memref<1x1024xi32, #tpu.memory_space<vmem>>
    %dma_start3A_275 = arith.constant 0 : i32
    %dma_start3A_276 = tpu.memref_slice %arg2[%dma_start3A_275, %add3A_266] : memref<1x819200xi32, #tpu.memory_space<hbm>> -> memref<1x1024xi32, #tpu.memory_space<hbm>>
    tpu.enqueue_dma source(%dma_start3A_276 : memref<1x1024xi32, #tpu.memory_space<hbm>>) target(%dma_start3A_274 : memref<1x1024xi32, #tpu.memory_space<vmem>>) target_semaphore(%arg10 : memref<!tpu.dma_semaphore, #tpu.memory_space<semaphore_mem>>)
    %add3A_277 = arith.constant 376832 : i32
    %add3A_278 = arith.addi %add3A_277, %mul3A_2 : i32
    %dma_start3A_279 = arith.constant 0 : i32
    %dma_start3A_280 = arith.constant 23552 : i32
    %dma_start3A_281 = tpu.memref_slice %arg5[%dma_start3A_279, %dma_start3A_280] : memref<1x51200xi32, #tpu.memory_space<vmem>> -> memref<1x1024xi32, #tpu.memory_space<vmem>>
    %dma_start3A_282 = arith.constant 0 : i32
    %dma_start3A_283 = tpu.memref_slice %arg2[%dma_start3A_282, %add3A_278] : memref<1x819200xi32, #tpu.memory_space<hbm>> -> memref<1x1024xi32, #tpu.memory_space<hbm>>
    %dma_start3A_284 = arith.constant 0 : i32
    %dma_start3A_285 = arith.constant 23552 : i32
    %dma_start3A_286 = tpu.memref_slice %arg5[%dma_start3A_284, %dma_start3A_285] : memref<1x51200xi32, #tpu.memory_space<vmem>> -> memref<1x1024xi32, #tpu.memory_space<vmem>>
    %dma_start3A_287 = arith.constant 0 : i32
    %dma_start3A_288 = tpu.memref_slice %arg2[%dma_start3A_287, %add3A_278] : memref<1x819200xi32, #tpu.memory_space<hbm>> -> memref<1x1024xi32, #tpu.memory_space<hbm>>
    tpu.enqueue_dma source(%dma_start3A_288 : memref<1x1024xi32, #tpu.memory_space<hbm>>) target(%dma_start3A_286 : memref<1x1024xi32, #tpu.memory_space<vmem>>) target_semaphore(%arg10 : memref<!tpu.dma_semaphore, #tpu.memory_space<semaphore_mem>>)
    %add3A_289 = arith.constant 393216 : i32
    %add3A_290 = arith.addi %add3A_289, %mul3A_2 : i32
    %dma_start3A_291 = arith.constant 0 : i32
    %dma_start3A_292 = arith.constant 24576 : i32
    %dma_start3A_293 = tpu.memref_slice %arg5[%dma_start3A_291, %dma_start3A_292] : memref<1x51200xi32, #tpu.memory_space<vmem>> -> memref<1x1024xi32, #tpu.memory_space<vmem>>
    %dma_start3A_294 = arith.constant 0 : i32
    %dma_start3A_295 = tpu.memref_slice %arg2[%dma_start3A_294, %add3A_290] : memref<1x819200xi32, #tpu.memory_space<hbm>> -> memref<1x1024xi32, #tpu.memory_space<hbm>>
    %dma_start3A_296 = arith.constant 0 : i32
    %dma_start3A_297 = arith.constant 24576 : i32
    %dma_start3A_298 = tpu.memref_slice %arg5[%dma_start3A_296, %dma_start3A_297] : memref<1x51200xi32, #tpu.memory_space<vmem>> -> memref<1x1024xi32, #tpu.memory_space<vmem>>
    %dma_start3A_299 = arith.constant 0 : i32
    %dma_start3A_300 = tpu.memref_slice %arg2[%dma_start3A_299, %add3A_290] : memref<1x819200xi32, #tpu.memory_space<hbm>> -> memref<1x1024xi32, #tpu.memory_space<hbm>>
    tpu.enqueue_dma source(%dma_start3A_300 : memref<1x1024xi32, #tpu.memory_space<hbm>>) target(%dma_start3A_298 : memref<1x1024xi32, #tpu.memory_space<vmem>>) target_semaphore(%arg10 : memref<!tpu.dma_semaphore, #tpu.memory_space<semaphore_mem>>)
    %add3A_301 = arith.constant 409600 : i32
    %add3A_302 = arith.addi %add3A_301, %mul3A_2 : i32
    %dma_start3A_303 = arith.constant 0 : i32
    %dma_start3A_304 = arith.constant 25600 : i32
    %dma_start3A_305 = tpu.memref_slice %arg5[%dma_start3A_303, %dma_start3A_304] : memref<1x51200xi32, #tpu.memory_space<vmem>> -> memref<1x1024xi32, #tpu.memory_space<vmem>>
    %dma_start3A_306 = arith.constant 0 : i32
    %dma_start3A_307 = tpu.memref_slice %arg2[%dma_start3A_306, %add3A_302] : memref<1x819200xi32, #tpu.memory_space<hbm>> -> memref<1x1024xi32, #tpu.memory_space<hbm>>
    %dma_start3A_308 = arith.constant 0 : i32
    %dma_start3A_309 = arith.constant 25600 : i32
    %dma_start3A_310 = tpu.memref_slice %arg5[%dma_start3A_308, %dma_start3A_309] : memref<1x51200xi32, #tpu.memory_space<vmem>> -> memref<1x1024xi32, #tpu.memory_space<vmem>>
    %dma_start3A_311 = arith.constant 0 : i32
    %dma_start3A_312 = tpu.memref_slice %arg2[%dma_start3A_311, %add3A_302] : memref<1x819200xi32, #tpu.memory_space<hbm>> -> memref<1x1024xi32, #tpu.memory_space<hbm>>
    tpu.enqueue_dma source(%dma_start3A_312 : memref<1x1024xi32, #tpu.memory_space<hbm>>) target(%dma_start3A_310 : memref<1x1024xi32, #tpu.memory_space<vmem>>) target_semaphore(%arg10 : memref<!tpu.dma_semaphore, #tpu.memory_space<semaphore_mem>>)
    %add3A_313 = arith.constant 425984 : i32
    %add3A_314 = arith.addi %add3A_313, %mul3A_2 : i32
    %dma_start3A_315 = arith.constant 0 : i32
    %dma_start3A_316 = arith.constant 26624 : i32
    %dma_start3A_317 = tpu.memref_slice %arg5[%dma_start3A_315, %dma_start3A_316] : memref<1x51200xi32, #tpu.memory_space<vmem>> -> memref<1x1024xi32, #tpu.memory_space<vmem>>
    %dma_start3A_318 = arith.constant 0 : i32
    %dma_start3A_319 = tpu.memref_slice %arg2[%dma_start3A_318, %add3A_314] : memref<1x819200xi32, #tpu.memory_space<hbm>> -> memref<1x1024xi32, #tpu.memory_space<hbm>>
    %dma_start3A_320 = arith.constant 0 : i32
    %dma_start3A_321 = arith.constant 26624 : i32
    %dma_start3A_322 = tpu.memref_slice %arg5[%dma_start3A_320, %dma_start3A_321] : memref<1x51200xi32, #tpu.memory_space<vmem>> -> memref<1x1024xi32, #tpu.memory_space<vmem>>
    %dma_start3A_323 = arith.constant 0 : i32
    %dma_start3A_324 = tpu.memref_slice %arg2[%dma_start3A_323, %add3A_314] : memref<1x819200xi32, #tpu.memory_space<hbm>> -> memref<1x1024xi32, #tpu.memory_space<hbm>>
    tpu.enqueue_dma source(%dma_start3A_324 : memref<1x1024xi32, #tpu.memory_space<hbm>>) target(%dma_start3A_322 : memref<1x1024xi32, #tpu.memory_space<vmem>>) target_semaphore(%arg10 : memref<!tpu.dma_semaphore, #tpu.memory_space<semaphore_mem>>)
    %add3A_325 = arith.constant 442368 : i32
    %add3A_326 = arith.addi %add3A_325, %mul3A_2 : i32
    %dma_start3A_327 = arith.constant 0 : i32
    %dma_start3A_328 = arith.constant 27648 : i32
    %dma_start3A_329 = tpu.memref_slice %arg5[%dma_start3A_327, %dma_start3A_328] : memref<1x51200xi32, #tpu.memory_space<vmem>> -> memref<1x1024xi32, #tpu.memory_space<vmem>>
    %dma_start3A_330 = arith.constant 0 : i32
    %dma_start3A_331 = tpu.memref_slice %arg2[%dma_start3A_330, %add3A_326] : memref<1x819200xi32, #tpu.memory_space<hbm>> -> memref<1x1024xi32, #tpu.memory_space<hbm>>
    %dma_start3A_332 = arith.constant 0 : i32
    %dma_start3A_333 = arith.constant 27648 : i32
    %dma_start3A_334 = tpu.memref_slice %arg5[%dma_start3A_332, %dma_start3A_333] : memref<1x51200xi32, #tpu.memory_space<vmem>> -> memref<1x1024xi32, #tpu.memory_space<vmem>>
    %dma_start3A_335 = arith.constant 0 : i32
    %dma_start3A_336 = tpu.memref_slice %arg2[%dma_start3A_335, %add3A_326] : memref<1x819200xi32, #tpu.memory_space<hbm>> -> memref<1x1024xi32, #tpu.memory_space<hbm>>
    tpu.enqueue_dma source(%dma_start3A_336 : memref<1x1024xi32, #tpu.memory_space<hbm>>) target(%dma_start3A_334 : memref<1x1024xi32, #tpu.memory_space<vmem>>) target_semaphore(%arg10 : memref<!tpu.dma_semaphore, #tpu.memory_space<semaphore_mem>>)
    %add3A_337 = arith.constant 458752 : i32
    %add3A_338 = arith.addi %add3A_337, %mul3A_2 : i32
    %dma_start3A_339 = arith.constant 0 : i32
    %dma_start3A_340 = arith.constant 28672 : i32
    %dma_start3A_341 = tpu.memref_slice %arg5[%dma_start3A_339, %dma_start3A_340] : memref<1x51200xi32, #tpu.memory_space<vmem>> -> memref<1x1024xi32, #tpu.memory_space<vmem>>
    %dma_start3A_342 = arith.constant 0 : i32
    %dma_start3A_343 = tpu.memref_slice %arg2[%dma_start3A_342, %add3A_338] : memref<1x819200xi32, #tpu.memory_space<hbm>> -> memref<1x1024xi32, #tpu.memory_space<hbm>>
    %dma_start3A_344 = arith.constant 0 : i32
    %dma_start3A_345 = arith.constant 28672 : i32
    %dma_start3A_346 = tpu.memref_slice %arg5[%dma_start3A_344, %dma_start3A_345] : memref<1x51200xi32, #tpu.memory_space<vmem>> -> memref<1x1024xi32, #tpu.memory_space<vmem>>
    %dma_start3A_347 = arith.constant 0 : i32
    %dma_start3A_348 = tpu.memref_slice %arg2[%dma_start3A_347, %add3A_338] : memref<1x819200xi32, #tpu.memory_space<hbm>> -> memref<1x1024xi32, #tpu.memory_space<hbm>>
    tpu.enqueue_dma source(%dma_start3A_348 : memref<1x1024xi32, #tpu.memory_space<hbm>>) target(%dma_start3A_346 : memref<1x1024xi32, #tpu.memory_space<vmem>>) target_semaphore(%arg10 : memref<!tpu.dma_semaphore, #tpu.memory_space<semaphore_mem>>)
    %add3A_349 = arith.constant 475136 : i32
    %add3A_350 = arith.addi %add3A_349, %mul3A_2 : i32
    %dma_start3A_351 = arith.constant 0 : i32
    %dma_start3A_352 = arith.constant 29696 : i32
    %dma_start3A_353 = tpu.memref_slice %arg5[%dma_start3A_351, %dma_start3A_352] : memref<1x51200xi32, #tpu.memory_space<vmem>> -> memref<1x1024xi32, #tpu.memory_space<vmem>>
    %dma_start3A_354 = arith.constant 0 : i32
    %dma_start3A_355 = tpu.memref_slice %arg2[%dma_start3A_354, %add3A_350] : memref<1x819200xi32, #tpu.memory_space<hbm>> -> memref<1x1024xi32, #tpu.memory_space<hbm>>
    %dma_start3A_356 = arith.constant 0 : i32
    %dma_start3A_357 = arith.constant 29696 : i32
    %dma_start3A_358 = tpu.memref_slice %arg5[%dma_start3A_356, %dma_start3A_357] : memref<1x51200xi32, #tpu.memory_space<vmem>> -> memref<1x1024xi32, #tpu.memory_space<vmem>>
    %dma_start3A_359 = arith.constant 0 : i32
    %dma_start3A_360 = tpu.memref_slice %arg2[%dma_start3A_359, %add3A_350] : memref<1x819200xi32, #tpu.memory_space<hbm>> -> memref<1x1024xi32, #tpu.memory_space<hbm>>
    tpu.enqueue_dma source(%dma_start3A_360 : memref<1x1024xi32, #tpu.memory_space<hbm>>) target(%dma_start3A_358 : memref<1x1024xi32, #tpu.memory_space<vmem>>) target_semaphore(%arg10 : memref<!tpu.dma_semaphore, #tpu.memory_space<semaphore_mem>>)
    %add3A_361 = arith.constant 491520 : i32
    %add3A_362 = arith.addi %add3A_361, %mul3A_2 : i32
    %dma_start3A_363 = arith.constant 0 : i32
    %dma_start3A_364 = arith.constant 30720 : i32
    %dma_start3A_365 = tpu.memref_slice %arg5[%dma_start3A_363, %dma_start3A_364] : memref<1x51200xi32, #tpu.memory_space<vmem>> -> memref<1x1024xi32, #tpu.memory_space<vmem>>
    %dma_start3A_366 = arith.constant 0 : i32
    %dma_start3A_367 = tpu.memref_slice %arg2[%dma_start3A_366, %add3A_362] : memref<1x819200xi32, #tpu.memory_space<hbm>> -> memref<1x1024xi32, #tpu.memory_space<hbm>>
    %dma_start3A_368 = arith.constant 0 : i32
    %dma_start3A_369 = arith.constant 30720 : i32
    %dma_start3A_370 = tpu.memref_slice %arg5[%dma_start3A_368, %dma_start3A_369] : memref<1x51200xi32, #tpu.memory_space<vmem>> -> memref<1x1024xi32, #tpu.memory_space<vmem>>
    %dma_start3A_371 = arith.constant 0 : i32
    %dma_start3A_372 = tpu.memref_slice %arg2[%dma_start3A_371, %add3A_362] : memref<1x819200xi32, #tpu.memory_space<hbm>> -> memref<1x1024xi32, #tpu.memory_space<hbm>>
    tpu.enqueue_dma source(%dma_start3A_372 : memref<1x1024xi32, #tpu.memory_space<hbm>>) target(%dma_start3A_370 : memref<1x1024xi32, #tpu.memory_space<vmem>>) target_semaphore(%arg10 : memref<!tpu.dma_semaphore, #tpu.memory_space<semaphore_mem>>)
    %add3A_373 = arith.constant 507904 : i32
    %add3A_374 = arith.addi %add3A_373, %mul3A_2 : i32
    %dma_start3A_375 = arith.constant 0 : i32
    %dma_start3A_376 = arith.constant 31744 : i32
    %dma_start3A_377 = tpu.memref_slice %arg5[%dma_start3A_375, %dma_start3A_376] : memref<1x51200xi32, #tpu.memory_space<vmem>> -> memref<1x1024xi32, #tpu.memory_space<vmem>>
    %dma_start3A_378 = arith.constant 0 : i32
    %dma_start3A_379 = tpu.memref_slice %arg2[%dma_start3A_378, %add3A_374] : memref<1x819200xi32, #tpu.memory_space<hbm>> -> memref<1x1024xi32, #tpu.memory_space<hbm>>
    %dma_start3A_380 = arith.constant 0 : i32
    %dma_start3A_381 = arith.constant 31744 : i32
    %dma_start3A_382 = tpu.memref_slice %arg5[%dma_start3A_380, %dma_start3A_381] : memref<1x51200xi32, #tpu.memory_space<vmem>> -> memref<1x1024xi32, #tpu.memory_space<vmem>>
    %dma_start3A_383 = arith.constant 0 : i32
    %dma_start3A_384 = tpu.memref_slice %arg2[%dma_start3A_383, %add3A_374] : memref<1x819200xi32, #tpu.memory_space<hbm>> -> memref<1x1024xi32, #tpu.memory_space<hbm>>
    tpu.enqueue_dma source(%dma_start3A_384 : memref<1x1024xi32, #tpu.memory_space<hbm>>) target(%dma_start3A_382 : memref<1x1024xi32, #tpu.memory_space<vmem>>) target_semaphore(%arg10 : memref<!tpu.dma_semaphore, #tpu.memory_space<semaphore_mem>>)
    %add3A_385 = arith.constant 524288 : i32
    %add3A_386 = arith.addi %add3A_385, %mul3A_2 : i32
    %dma_start3A_387 = arith.constant 0 : i32
    %dma_start3A_388 = arith.constant 32768 : i32
    %dma_start3A_389 = tpu.memref_slice %arg5[%dma_start3A_387, %dma_start3A_388] : memref<1x51200xi32, #tpu.memory_space<vmem>> -> memref<1x1024xi32, #tpu.memory_space<vmem>>
    %dma_start3A_390 = arith.constant 0 : i32
    %dma_start3A_391 = tpu.memref_slice %arg2[%dma_start3A_390, %add3A_386] : memref<1x819200xi32, #tpu.memory_space<hbm>> -> memref<1x1024xi32, #tpu.memory_space<hbm>>
    %dma_start3A_392 = arith.constant 0 : i32
    %dma_start3A_393 = arith.constant 32768 : i32
    %dma_start3A_394 = tpu.memref_slice %arg5[%dma_start3A_392, %dma_start3A_393] : memref<1x51200xi32, #tpu.memory_space<vmem>> -> memref<1x1024xi32, #tpu.memory_space<vmem>>
    %dma_start3A_395 = arith.constant 0 : i32
    %dma_start3A_396 = tpu.memref_slice %arg2[%dma_start3A_395, %add3A_386] : memref<1x819200xi32, #tpu.memory_space<hbm>> -> memref<1x1024xi32, #tpu.memory_space<hbm>>
    tpu.enqueue_dma source(%dma_start3A_396 : memref<1x1024xi32, #tpu.memory_space<hbm>>) target(%dma_start3A_394 : memref<1x1024xi32, #tpu.memory_space<vmem>>) target_semaphore(%arg10 : memref<!tpu.dma_semaphore, #tpu.memory_space<semaphore_mem>>)
    %add3A_397 = arith.constant 540672 : i32
    %add3A_398 = arith.addi %add3A_397, %mul3A_2 : i32
    %dma_start3A_399 = arith.constant 0 : i32
    %dma_start3A_400 = arith.constant 33792 : i32
    %dma_start3A_401 = tpu.memref_slice %arg5[%dma_start3A_399, %dma_start3A_400] : memref<1x51200xi32, #tpu.memory_space<vmem>> -> memref<1x1024xi32, #tpu.memory_space<vmem>>
    %dma_start3A_402 = arith.constant 0 : i32
    %dma_start3A_403 = tpu.memref_slice %arg2[%dma_start3A_402, %add3A_398] : memref<1x819200xi32, #tpu.memory_space<hbm>> -> memref<1x1024xi32, #tpu.memory_space<hbm>>
    %dma_start3A_404 = arith.constant 0 : i32
    %dma_start3A_405 = arith.constant 33792 : i32
    %dma_start3A_406 = tpu.memref_slice %arg5[%dma_start3A_404, %dma_start3A_405] : memref<1x51200xi32, #tpu.memory_space<vmem>> -> memref<1x1024xi32, #tpu.memory_space<vmem>>
    %dma_start3A_407 = arith.constant 0 : i32
    %dma_start3A_408 = tpu.memref_slice %arg2[%dma_start3A_407, %add3A_398] : memref<1x819200xi32, #tpu.memory_space<hbm>> -> memref<1x1024xi32, #tpu.memory_space<hbm>>
    tpu.enqueue_dma source(%dma_start3A_408 : memref<1x1024xi32, #tpu.memory_space<hbm>>) target(%dma_start3A_406 : memref<1x1024xi32, #tpu.memory_space<vmem>>) target_semaphore(%arg10 : memref<!tpu.dma_semaphore, #tpu.memory_space<semaphore_mem>>)
    %add3A_409 = arith.constant 557056 : i32
    %add3A_410 = arith.addi %add3A_409, %mul3A_2 : i32
    %dma_start3A_411 = arith.constant 0 : i32
    %dma_start3A_412 = arith.constant 34816 : i32
    %dma_start3A_413 = tpu.memref_slice %arg5[%dma_start3A_411, %dma_start3A_412] : memref<1x51200xi32, #tpu.memory_space<vmem>> -> memref<1x1024xi32, #tpu.memory_space<vmem>>
    %dma_start3A_414 = arith.constant 0 : i32
    %dma_start3A_415 = tpu.memref_slice %arg2[%dma_start3A_414, %add3A_410] : memref<1x819200xi32, #tpu.memory_space<hbm>> -> memref<1x1024xi32, #tpu.memory_space<hbm>>
    %dma_start3A_416 = arith.constant 0 : i32
    %dma_start3A_417 = arith.constant 34816 : i32
    %dma_start3A_418 = tpu.memref_slice %arg5[%dma_start3A_416, %dma_start3A_417] : memref<1x51200xi32, #tpu.memory_space<vmem>> -> memref<1x1024xi32, #tpu.memory_space<vmem>>
    %dma_start3A_419 = arith.constant 0 : i32
    %dma_start3A_420 = tpu.memref_slice %arg2[%dma_start3A_419, %add3A_410] : memref<1x819200xi32, #tpu.memory_space<hbm>> -> memref<1x1024xi32, #tpu.memory_space<hbm>>
    tpu.enqueue_dma source(%dma_start3A_420 : memref<1x1024xi32, #tpu.memory_space<hbm>>) target(%dma_start3A_418 : memref<1x1024xi32, #tpu.memory_space<vmem>>) target_semaphore(%arg10 : memref<!tpu.dma_semaphore, #tpu.memory_space<semaphore_mem>>)
    %add3A_421 = arith.constant 573440 : i32
    %add3A_422 = arith.addi %add3A_421, %mul3A_2 : i32
    %dma_start3A_423 = arith.constant 0 : i32
    %dma_start3A_424 = arith.constant 35840 : i32
    %dma_start3A_425 = tpu.memref_slice %arg5[%dma_start3A_423, %dma_start3A_424] : memref<1x51200xi32, #tpu.memory_space<vmem>> -> memref<1x1024xi32, #tpu.memory_space<vmem>>
    %dma_start3A_426 = arith.constant 0 : i32
    %dma_start3A_427 = tpu.memref_slice %arg2[%dma_start3A_426, %add3A_422] : memref<1x819200xi32, #tpu.memory_space<hbm>> -> memref<1x1024xi32, #tpu.memory_space<hbm>>
    %dma_start3A_428 = arith.constant 0 : i32
    %dma_start3A_429 = arith.constant 35840 : i32
    %dma_start3A_430 = tpu.memref_slice %arg5[%dma_start3A_428, %dma_start3A_429] : memref<1x51200xi32, #tpu.memory_space<vmem>> -> memref<1x1024xi32, #tpu.memory_space<vmem>>
    %dma_start3A_431 = arith.constant 0 : i32
    %dma_start3A_432 = tpu.memref_slice %arg2[%dma_start3A_431, %add3A_422] : memref<1x819200xi32, #tpu.memory_space<hbm>> -> memref<1x1024xi32, #tpu.memory_space<hbm>>
    tpu.enqueue_dma source(%dma_start3A_432 : memref<1x1024xi32, #tpu.memory_space<hbm>>) target(%dma_start3A_430 : memref<1x1024xi32, #tpu.memory_space<vmem>>) target_semaphore(%arg10 : memref<!tpu.dma_semaphore, #tpu.memory_space<semaphore_mem>>)
    %add3A_433 = arith.constant 589824 : i32
    %add3A_434 = arith.addi %add3A_433, %mul3A_2 : i32
    %dma_start3A_435 = arith.constant 0 : i32
    %dma_start3A_436 = arith.constant 36864 : i32
    %dma_start3A_437 = tpu.memref_slice %arg5[%dma_start3A_435, %dma_start3A_436] : memref<1x51200xi32, #tpu.memory_space<vmem>> -> memref<1x1024xi32, #tpu.memory_space<vmem>>
    %dma_start3A_438 = arith.constant 0 : i32
    %dma_start3A_439 = tpu.memref_slice %arg2[%dma_start3A_438, %add3A_434] : memref<1x819200xi32, #tpu.memory_space<hbm>> -> memref<1x1024xi32, #tpu.memory_space<hbm>>
    %dma_start3A_440 = arith.constant 0 : i32
    %dma_start3A_441 = arith.constant 36864 : i32
    %dma_start3A_442 = tpu.memref_slice %arg5[%dma_start3A_440, %dma_start3A_441] : memref<1x51200xi32, #tpu.memory_space<vmem>> -> memref<1x1024xi32, #tpu.memory_space<vmem>>
    %dma_start3A_443 = arith.constant 0 : i32
    %dma_start3A_444 = tpu.memref_slice %arg2[%dma_start3A_443, %add3A_434] : memref<1x819200xi32, #tpu.memory_space<hbm>> -> memref<1x1024xi32, #tpu.memory_space<hbm>>
    tpu.enqueue_dma source(%dma_start3A_444 : memref<1x1024xi32, #tpu.memory_space<hbm>>) target(%dma_start3A_442 : memref<1x1024xi32, #tpu.memory_space<vmem>>) target_semaphore(%arg10 : memref<!tpu.dma_semaphore, #tpu.memory_space<semaphore_mem>>)
    %add3A_445 = arith.constant 606208 : i32
    %add3A_446 = arith.addi %add3A_445, %mul3A_2 : i32
    %dma_start3A_447 = arith.constant 0 : i32
    %dma_start3A_448 = arith.constant 37888 : i32
    %dma_start3A_449 = tpu.memref_slice %arg5[%dma_start3A_447, %dma_start3A_448] : memref<1x51200xi32, #tpu.memory_space<vmem>> -> memref<1x1024xi32, #tpu.memory_space<vmem>>
    %dma_start3A_450 = arith.constant 0 : i32
    %dma_start3A_451 = tpu.memref_slice %arg2[%dma_start3A_450, %add3A_446] : memref<1x819200xi32, #tpu.memory_space<hbm>> -> memref<1x1024xi32, #tpu.memory_space<hbm>>
    %dma_start3A_452 = arith.constant 0 : i32
    %dma_start3A_453 = arith.constant 37888 : i32
    %dma_start3A_454 = tpu.memref_slice %arg5[%dma_start3A_452, %dma_start3A_453] : memref<1x51200xi32, #tpu.memory_space<vmem>> -> memref<1x1024xi32, #tpu.memory_space<vmem>>
    %dma_start3A_455 = arith.constant 0 : i32
    %dma_start3A_456 = tpu.memref_slice %arg2[%dma_start3A_455, %add3A_446] : memref<1x819200xi32, #tpu.memory_space<hbm>> -> memref<1x1024xi32, #tpu.memory_space<hbm>>
    tpu.enqueue_dma source(%dma_start3A_456 : memref<1x1024xi32, #tpu.memory_space<hbm>>) target(%dma_start3A_454 : memref<1x1024xi32, #tpu.memory_space<vmem>>) target_semaphore(%arg10 : memref<!tpu.dma_semaphore, #tpu.memory_space<semaphore_mem>>)
    %add3A_457 = arith.constant 622592 : i32
    %add3A_458 = arith.addi %add3A_457, %mul3A_2 : i32
    %dma_start3A_459 = arith.constant 0 : i32
    %dma_start3A_460 = arith.constant 38912 : i32
    %dma_start3A_461 = tpu.memref_slice %arg5[%dma_start3A_459, %dma_start3A_460] : memref<1x51200xi32, #tpu.memory_space<vmem>> -> memref<1x1024xi32, #tpu.memory_space<vmem>>
    %dma_start3A_462 = arith.constant 0 : i32
    %dma_start3A_463 = tpu.memref_slice %arg2[%dma_start3A_462, %add3A_458] : memref<1x819200xi32, #tpu.memory_space<hbm>> -> memref<1x1024xi32, #tpu.memory_space<hbm>>
    %dma_start3A_464 = arith.constant 0 : i32
    %dma_start3A_465 = arith.constant 38912 : i32
    %dma_start3A_466 = tpu.memref_slice %arg5[%dma_start3A_464, %dma_start3A_465] : memref<1x51200xi32, #tpu.memory_space<vmem>> -> memref<1x1024xi32, #tpu.memory_space<vmem>>
    %dma_start3A_467 = arith.constant 0 : i32
    %dma_start3A_468 = tpu.memref_slice %arg2[%dma_start3A_467, %add3A_458] : memref<1x819200xi32, #tpu.memory_space<hbm>> -> memref<1x1024xi32, #tpu.memory_space<hbm>>
    tpu.enqueue_dma source(%dma_start3A_468 : memref<1x1024xi32, #tpu.memory_space<hbm>>) target(%dma_start3A_466 : memref<1x1024xi32, #tpu.memory_space<vmem>>) target_semaphore(%arg10 : memref<!tpu.dma_semaphore, #tpu.memory_space<semaphore_mem>>)
    %add3A_469 = arith.constant 638976 : i32
    %add3A_470 = arith.addi %add3A_469, %mul3A_2 : i32
    %dma_start3A_471 = arith.constant 0 : i32
    %dma_start3A_472 = arith.constant 39936 : i32
    %dma_start3A_473 = tpu.memref_slice %arg5[%dma_start3A_471, %dma_start3A_472] : memref<1x51200xi32, #tpu.memory_space<vmem>> -> memref<1x1024xi32, #tpu.memory_space<vmem>>
    %dma_start3A_474 = arith.constant 0 : i32
    %dma_start3A_475 = tpu.memref_slice %arg2[%dma_start3A_474, %add3A_470] : memref<1x819200xi32, #tpu.memory_space<hbm>> -> memref<1x1024xi32, #tpu.memory_space<hbm>>
    %dma_start3A_476 = arith.constant 0 : i32
    %dma_start3A_477 = arith.constant 39936 : i32
    %dma_start3A_478 = tpu.memref_slice %arg5[%dma_start3A_476, %dma_start3A_477] : memref<1x51200xi32, #tpu.memory_space<vmem>> -> memref<1x1024xi32, #tpu.memory_space<vmem>>
    %dma_start3A_479 = arith.constant 0 : i32
    %dma_start3A_480 = tpu.memref_slice %arg2[%dma_start3A_479, %add3A_470] : memref<1x819200xi32, #tpu.memory_space<hbm>> -> memref<1x1024xi32, #tpu.memory_space<hbm>>
    tpu.enqueue_dma source(%dma_start3A_480 : memref<1x1024xi32, #tpu.memory_space<hbm>>) target(%dma_start3A_478 : memref<1x1024xi32, #tpu.memory_space<vmem>>) target_semaphore(%arg10 : memref<!tpu.dma_semaphore, #tpu.memory_space<semaphore_mem>>)
    %add3A_481 = arith.constant 655360 : i32
    %add3A_482 = arith.addi %add3A_481, %mul3A_2 : i32
    %dma_start3A_483 = arith.constant 0 : i32
    %dma_start3A_484 = arith.constant 40960 : i32
    %dma_start3A_485 = tpu.memref_slice %arg5[%dma_start3A_483, %dma_start3A_484] : memref<1x51200xi32, #tpu.memory_space<vmem>> -> memref<1x1024xi32, #tpu.memory_space<vmem>>
    %dma_start3A_486 = arith.constant 0 : i32
    %dma_start3A_487 = tpu.memref_slice %arg2[%dma_start3A_486, %add3A_482] : memref<1x819200xi32, #tpu.memory_space<hbm>> -> memref<1x1024xi32, #tpu.memory_space<hbm>>
    %dma_start3A_488 = arith.constant 0 : i32
    %dma_start3A_489 = arith.constant 40960 : i32
    %dma_start3A_490 = tpu.memref_slice %arg5[%dma_start3A_488, %dma_start3A_489] : memref<1x51200xi32, #tpu.memory_space<vmem>> -> memref<1x1024xi32, #tpu.memory_space<vmem>>
    %dma_start3A_491 = arith.constant 0 : i32
    %dma_start3A_492 = tpu.memref_slice %arg2[%dma_start3A_491, %add3A_482] : memref<1x819200xi32, #tpu.memory_space<hbm>> -> memref<1x1024xi32, #tpu.memory_space<hbm>>
    tpu.enqueue_dma source(%dma_start3A_492 : memref<1x1024xi32, #tpu.memory_space<hbm>>) target(%dma_start3A_490 : memref<1x1024xi32, #tpu.memory_space<vmem>>) target_semaphore(%arg10 : memref<!tpu.dma_semaphore, #tpu.memory_space<semaphore_mem>>)
    %add3A_493 = arith.constant 671744 : i32
    %add3A_494 = arith.addi %add3A_493, %mul3A_2 : i32
    %dma_start3A_495 = arith.constant 0 : i32
    %dma_start3A_496 = arith.constant 41984 : i32
    %dma_start3A_497 = tpu.memref_slice %arg5[%dma_start3A_495, %dma_start3A_496] : memref<1x51200xi32, #tpu.memory_space<vmem>> -> memref<1x1024xi32, #tpu.memory_space<vmem>>
    %dma_start3A_498 = arith.constant 0 : i32
    %dma_start3A_499 = tpu.memref_slice %arg2[%dma_start3A_498, %add3A_494] : memref<1x819200xi32, #tpu.memory_space<hbm>> -> memref<1x1024xi32, #tpu.memory_space<hbm>>
    %dma_start3A_500 = arith.constant 0 : i32
    %dma_start3A_501 = arith.constant 41984 : i32
    %dma_start3A_502 = tpu.memref_slice %arg5[%dma_start3A_500, %dma_start3A_501] : memref<1x51200xi32, #tpu.memory_space<vmem>> -> memref<1x1024xi32, #tpu.memory_space<vmem>>
    %dma_start3A_503 = arith.constant 0 : i32
    %dma_start3A_504 = tpu.memref_slice %arg2[%dma_start3A_503, %add3A_494] : memref<1x819200xi32, #tpu.memory_space<hbm>> -> memref<1x1024xi32, #tpu.memory_space<hbm>>
    tpu.enqueue_dma source(%dma_start3A_504 : memref<1x1024xi32, #tpu.memory_space<hbm>>) target(%dma_start3A_502 : memref<1x1024xi32, #tpu.memory_space<vmem>>) target_semaphore(%arg10 : memref<!tpu.dma_semaphore, #tpu.memory_space<semaphore_mem>>)
    %add3A_505 = arith.constant 688128 : i32
    %add3A_506 = arith.addi %add3A_505, %mul3A_2 : i32
    %dma_start3A_507 = arith.constant 0 : i32
    %dma_start3A_508 = arith.constant 43008 : i32
    %dma_start3A_509 = tpu.memref_slice %arg5[%dma_start3A_507, %dma_start3A_508] : memref<1x51200xi32, #tpu.memory_space<vmem>> -> memref<1x1024xi32, #tpu.memory_space<vmem>>
    %dma_start3A_510 = arith.constant 0 : i32
    %dma_start3A_511 = tpu.memref_slice %arg2[%dma_start3A_510, %add3A_506] : memref<1x819200xi32, #tpu.memory_space<hbm>> -> memref<1x1024xi32, #tpu.memory_space<hbm>>
    %dma_start3A_512 = arith.constant 0 : i32
    %dma_start3A_513 = arith.constant 43008 : i32
    %dma_start3A_514 = tpu.memref_slice %arg5[%dma_start3A_512, %dma_start3A_513] : memref<1x51200xi32, #tpu.memory_space<vmem>> -> memref<1x1024xi32, #tpu.memory_space<vmem>>
    %dma_start3A_515 = arith.constant 0 : i32
    %dma_start3A_516 = tpu.memref_slice %arg2[%dma_start3A_515, %add3A_506] : memref<1x819200xi32, #tpu.memory_space<hbm>> -> memref<1x1024xi32, #tpu.memory_space<hbm>>
    tpu.enqueue_dma source(%dma_start3A_516 : memref<1x1024xi32, #tpu.memory_space<hbm>>) target(%dma_start3A_514 : memref<1x1024xi32, #tpu.memory_space<vmem>>) target_semaphore(%arg10 : memref<!tpu.dma_semaphore, #tpu.memory_space<semaphore_mem>>)
    %add3A_517 = arith.constant 704512 : i32
    %add3A_518 = arith.addi %add3A_517, %mul3A_2 : i32
    %dma_start3A_519 = arith.constant 0 : i32
    %dma_start3A_520 = arith.constant 44032 : i32
    %dma_start3A_521 = tpu.memref_slice %arg5[%dma_start3A_519, %dma_start3A_520] : memref<1x51200xi32, #tpu.memory_space<vmem>> -> memref<1x1024xi32, #tpu.memory_space<vmem>>
    %dma_start3A_522 = arith.constant 0 : i32
    %dma_start3A_523 = tpu.memref_slice %arg2[%dma_start3A_522, %add3A_518] : memref<1x819200xi32, #tpu.memory_space<hbm>> -> memref<1x1024xi32, #tpu.memory_space<hbm>>
    %dma_start3A_524 = arith.constant 0 : i32
    %dma_start3A_525 = arith.constant 44032 : i32
    %dma_start3A_526 = tpu.memref_slice %arg5[%dma_start3A_524, %dma_start3A_525] : memref<1x51200xi32, #tpu.memory_space<vmem>> -> memref<1x1024xi32, #tpu.memory_space<vmem>>
    %dma_start3A_527 = arith.constant 0 : i32
    %dma_start3A_528 = tpu.memref_slice %arg2[%dma_start3A_527, %add3A_518] : memref<1x819200xi32, #tpu.memory_space<hbm>> -> memref<1x1024xi32, #tpu.memory_space<hbm>>
    tpu.enqueue_dma source(%dma_start3A_528 : memref<1x1024xi32, #tpu.memory_space<hbm>>) target(%dma_start3A_526 : memref<1x1024xi32, #tpu.memory_space<vmem>>) target_semaphore(%arg10 : memref<!tpu.dma_semaphore, #tpu.memory_space<semaphore_mem>>)
    %add3A_529 = arith.constant 720896 : i32
    %add3A_530 = arith.addi %add3A_529, %mul3A_2 : i32
    %dma_start3A_531 = arith.constant 0 : i32
    %dma_start3A_532 = arith.constant 45056 : i32
    %dma_start3A_533 = tpu.memref_slice %arg5[%dma_start3A_531, %dma_start3A_532] : memref<1x51200xi32, #tpu.memory_space<vmem>> -> memref<1x1024xi32, #tpu.memory_space<vmem>>
    %dma_start3A_534 = arith.constant 0 : i32
    %dma_start3A_535 = tpu.memref_slice %arg2[%dma_start3A_534, %add3A_530] : memref<1x819200xi32, #tpu.memory_space<hbm>> -> memref<1x1024xi32, #tpu.memory_space<hbm>>
    %dma_start3A_536 = arith.constant 0 : i32
    %dma_start3A_537 = arith.constant 45056 : i32
    %dma_start3A_538 = tpu.memref_slice %arg5[%dma_start3A_536, %dma_start3A_537] : memref<1x51200xi32, #tpu.memory_space<vmem>> -> memref<1x1024xi32, #tpu.memory_space<vmem>>
    %dma_start3A_539 = arith.constant 0 : i32
    %dma_start3A_540 = tpu.memref_slice %arg2[%dma_start3A_539, %add3A_530] : memref<1x819200xi32, #tpu.memory_space<hbm>> -> memref<1x1024xi32, #tpu.memory_space<hbm>>
    tpu.enqueue_dma source(%dma_start3A_540 : memref<1x1024xi32, #tpu.memory_space<hbm>>) target(%dma_start3A_538 : memref<1x1024xi32, #tpu.memory_space<vmem>>) target_semaphore(%arg10 : memref<!tpu.dma_semaphore, #tpu.memory_space<semaphore_mem>>)
    %add3A_541 = arith.constant 737280 : i32
    %add3A_542 = arith.addi %add3A_541, %mul3A_2 : i32
    %dma_start3A_543 = arith.constant 0 : i32
    %dma_start3A_544 = arith.constant 46080 : i32
    %dma_start3A_545 = tpu.memref_slice %arg5[%dma_start3A_543, %dma_start3A_544] : memref<1x51200xi32, #tpu.memory_space<vmem>> -> memref<1x1024xi32, #tpu.memory_space<vmem>>
    %dma_start3A_546 = arith.constant 0 : i32
    %dma_start3A_547 = tpu.memref_slice %arg2[%dma_start3A_546, %add3A_542] : memref<1x819200xi32, #tpu.memory_space<hbm>> -> memref<1x1024xi32, #tpu.memory_space<hbm>>
    %dma_start3A_548 = arith.constant 0 : i32
    %dma_start3A_549 = arith.constant 46080 : i32
    %dma_start3A_550 = tpu.memref_slice %arg5[%dma_start3A_548, %dma_start3A_549] : memref<1x51200xi32, #tpu.memory_space<vmem>> -> memref<1x1024xi32, #tpu.memory_space<vmem>>
    %dma_start3A_551 = arith.constant 0 : i32
    %dma_start3A_552 = tpu.memref_slice %arg2[%dma_start3A_551, %add3A_542] : memref<1x819200xi32, #tpu.memory_space<hbm>> -> memref<1x1024xi32, #tpu.memory_space<hbm>>
    tpu.enqueue_dma source(%dma_start3A_552 : memref<1x1024xi32, #tpu.memory_space<hbm>>) target(%dma_start3A_550 : memref<1x1024xi32, #tpu.memory_space<vmem>>) target_semaphore(%arg10 : memref<!tpu.dma_semaphore, #tpu.memory_space<semaphore_mem>>)
    %add3A_553 = arith.constant 753664 : i32
    %add3A_554 = arith.addi %add3A_553, %mul3A_2 : i32
    %dma_start3A_555 = arith.constant 0 : i32
    %dma_start3A_556 = arith.constant 47104 : i32
    %dma_start3A_557 = tpu.memref_slice %arg5[%dma_start3A_555, %dma_start3A_556] : memref<1x51200xi32, #tpu.memory_space<vmem>> -> memref<1x1024xi32, #tpu.memory_space<vmem>>
    %dma_start3A_558 = arith.constant 0 : i32
    %dma_start3A_559 = tpu.memref_slice %arg2[%dma_start3A_558, %add3A_554] : memref<1x819200xi32, #tpu.memory_space<hbm>> -> memref<1x1024xi32, #tpu.memory_space<hbm>>
    %dma_start3A_560 = arith.constant 0 : i32
    %dma_start3A_561 = arith.constant 47104 : i32
    %dma_start3A_562 = tpu.memref_slice %arg5[%dma_start3A_560, %dma_start3A_561] : memref<1x51200xi32, #tpu.memory_space<vmem>> -> memref<1x1024xi32, #tpu.memory_space<vmem>>
    %dma_start3A_563 = arith.constant 0 : i32
    %dma_start3A_564 = tpu.memref_slice %arg2[%dma_start3A_563, %add3A_554] : memref<1x819200xi32, #tpu.memory_space<hbm>> -> memref<1x1024xi32, #tpu.memory_space<hbm>>
    tpu.enqueue_dma source(%dma_start3A_564 : memref<1x1024xi32, #tpu.memory_space<hbm>>) target(%dma_start3A_562 : memref<1x1024xi32, #tpu.memory_space<vmem>>) target_semaphore(%arg10 : memref<!tpu.dma_semaphore, #tpu.memory_space<semaphore_mem>>)
    %add3A_565 = arith.constant 770048 : i32
    %add3A_566 = arith.addi %add3A_565, %mul3A_2 : i32
    %dma_start3A_567 = arith.constant 0 : i32
    %dma_start3A_568 = arith.constant 48128 : i32
    %dma_start3A_569 = tpu.memref_slice %arg5[%dma_start3A_567, %dma_start3A_568] : memref<1x51200xi32, #tpu.memory_space<vmem>> -> memref<1x1024xi32, #tpu.memory_space<vmem>>
    %dma_start3A_570 = arith.constant 0 : i32
    %dma_start3A_571 = tpu.memref_slice %arg2[%dma_start3A_570, %add3A_566] : memref<1x819200xi32, #tpu.memory_space<hbm>> -> memref<1x1024xi32, #tpu.memory_space<hbm>>
    %dma_start3A_572 = arith.constant 0 : i32
    %dma_start3A_573 = arith.constant 48128 : i32
    %dma_start3A_574 = tpu.memref_slice %arg5[%dma_start3A_572, %dma_start3A_573] : memref<1x51200xi32, #tpu.memory_space<vmem>> -> memref<1x1024xi32, #tpu.memory_space<vmem>>
    %dma_start3A_575 = arith.constant 0 : i32
    %dma_start3A_576 = tpu.memref_slice %arg2[%dma_start3A_575, %add3A_566] : memref<1x819200xi32, #tpu.memory_space<hbm>> -> memref<1x1024xi32, #tpu.memory_space<hbm>>
    tpu.enqueue_dma source(%dma_start3A_576 : memref<1x1024xi32, #tpu.memory_space<hbm>>) target(%dma_start3A_574 : memref<1x1024xi32, #tpu.memory_space<vmem>>) target_semaphore(%arg10 : memref<!tpu.dma_semaphore, #tpu.memory_space<semaphore_mem>>)
    %add3A_577 = arith.constant 786432 : i32
    %add3A_578 = arith.addi %add3A_577, %mul3A_2 : i32
    %dma_start3A_579 = arith.constant 0 : i32
    %dma_start3A_580 = arith.constant 49152 : i32
    %dma_start3A_581 = tpu.memref_slice %arg5[%dma_start3A_579, %dma_start3A_580] : memref<1x51200xi32, #tpu.memory_space<vmem>> -> memref<1x1024xi32, #tpu.memory_space<vmem>>
    %dma_start3A_582 = arith.constant 0 : i32
    %dma_start3A_583 = tpu.memref_slice %arg2[%dma_start3A_582, %add3A_578] : memref<1x819200xi32, #tpu.memory_space<hbm>> -> memref<1x1024xi32, #tpu.memory_space<hbm>>
    %dma_start3A_584 = arith.constant 0 : i32
    %dma_start3A_585 = arith.constant 49152 : i32
    %dma_start3A_586 = tpu.memref_slice %arg5[%dma_start3A_584, %dma_start3A_585] : memref<1x51200xi32, #tpu.memory_space<vmem>> -> memref<1x1024xi32, #tpu.memory_space<vmem>>
    %dma_start3A_587 = arith.constant 0 : i32
    %dma_start3A_588 = tpu.memref_slice %arg2[%dma_start3A_587, %add3A_578] : memref<1x819200xi32, #tpu.memory_space<hbm>> -> memref<1x1024xi32, #tpu.memory_space<hbm>>
    tpu.enqueue_dma source(%dma_start3A_588 : memref<1x1024xi32, #tpu.memory_space<hbm>>) target(%dma_start3A_586 : memref<1x1024xi32, #tpu.memory_space<vmem>>) target_semaphore(%arg10 : memref<!tpu.dma_semaphore, #tpu.memory_space<semaphore_mem>>)
    %add3A_589 = arith.constant 802816 : i32
    %add3A_590 = arith.addi %add3A_589, %mul3A_2 : i32
    %dma_start3A_591 = arith.constant 0 : i32
    %dma_start3A_592 = arith.constant 50176 : i32
    %dma_start3A_593 = tpu.memref_slice %arg5[%dma_start3A_591, %dma_start3A_592] : memref<1x51200xi32, #tpu.memory_space<vmem>> -> memref<1x1024xi32, #tpu.memory_space<vmem>>
    %dma_start3A_594 = arith.constant 0 : i32
    %dma_start3A_595 = tpu.memref_slice %arg2[%dma_start3A_594, %add3A_590] : memref<1x819200xi32, #tpu.memory_space<hbm>> -> memref<1x1024xi32, #tpu.memory_space<hbm>>
    %dma_start3A_596 = arith.constant 0 : i32
    %dma_start3A_597 = arith.constant 50176 : i32
    %dma_start3A_598 = tpu.memref_slice %arg5[%dma_start3A_596, %dma_start3A_597] : memref<1x51200xi32, #tpu.memory_space<vmem>> -> memref<1x1024xi32, #tpu.memory_space<vmem>>
    %dma_start3A_599 = arith.constant 0 : i32
    %dma_start3A_600 = tpu.memref_slice %arg2[%dma_start3A_599, %add3A_590] : memref<1x819200xi32, #tpu.memory_space<hbm>> -> memref<1x1024xi32, #tpu.memory_space<hbm>>
    tpu.enqueue_dma source(%dma_start3A_600 : memref<1x1024xi32, #tpu.memory_space<hbm>>) target(%dma_start3A_598 : memref<1x1024xi32, #tpu.memory_space<vmem>>) target_semaphore(%arg10 : memref<!tpu.dma_semaphore, #tpu.memory_space<semaphore_mem>>)
    %dma_wait3A = arith.constant 0 : i32
    %dma_wait3A_601 = arith.constant 0 : i32
    %dma_wait3A_602 = tpu.memref_slice %arg2[%dma_wait3A, %dma_wait3A_601] : memref<1x819200xi32, #tpu.memory_space<hbm>> -> memref<1x51200xi32, #tpu.memory_space<hbm>>
    %dma_wait3A_603 = arith.constant 0 : i32
    %dma_wait3A_604 = arith.constant 0 : i32
    %dma_wait3A_605 = tpu.memref_slice %arg2[%dma_wait3A_603, %dma_wait3A_604] : memref<1x819200xi32, #tpu.memory_space<hbm>> -> memref<1x51200xi32, #tpu.memory_space<hbm>>
    tpu.wait_dma2 semaphore(%arg10 : memref<!tpu.dma_semaphore, #tpu.memory_space<semaphore_mem>>) src(%dma_wait3A_605 : memref<1x51200xi32, #tpu.memory_space<hbm>>) dst(%arg5 : memref<1x51200xi32, #tpu.memory_space<vmem>>)
    %scan3A = arith.constant 0 : i32
    %scan3A_606 = arith.constant 0 : i32
    %scan3A_607 = arith.constant 32 : i32
    %scan3A_608 = arith.addi %scan3A_606, %scan3A_607 : i32
    %scan3A_609 = arith.constant 1 : i32
    scf.for %scan3A_623 = %scan3A_606 to %scan3A_608 step %scan3A_609  : i32 {
      %eq3A = arith.constant 0 : i32
      %eq3A_624 = arith.cmpi eq, %arg1, %eq3A : i32
      %convert_element_type3A = arith.extui %eq3A_624 : i1 to i32
      %cond3A = arith.constant 0 : i32
      %cond3A_625 = arith.cmpi ne, %convert_element_type3A, %cond3A : i32
      scf.if %cond3A_625 {
        %add3A_885 = arith.addi %mul3A_0, %scan3A_623 : i32
        %dma_start3A_886 = arith.constant 0 : i32
        %dma_start3A_887 = tpu.memref_slice %arg3[%add3A_885, %dma_start3A_886] : memref<64x1000000xf32, #tpu.memory_space<hbm>> -> memref<1x1000000xf32, #tpu.memory_space<hbm>>
        tpu.enqueue_dma source(%dma_start3A_887 : memref<1x1000000xf32, #tpu.memory_space<hbm>>) target(%arg8 : memref<1x1000000xf32, #tpu.memory_space<vmem_shared>>) target_semaphore(%arg9 : memref<!tpu.dma_semaphore, #tpu.memory_space<semaphore_mem>>)
        %dma_wait3A_888 = arith.constant 0 : i32
        %dma_wait3A_889 = arith.constant 0 : i32
        %dma_wait3A_890 = tpu.memref_slice %arg3[%dma_wait3A_888, %dma_wait3A_889] : memref<64x1000000xf32, #tpu.memory_space<hbm>> -> memref<1x1000000xf32, #tpu.memory_space<hbm>>
        tpu.wait_dma2 semaphore(%arg9 : memref<!tpu.dma_semaphore, #tpu.memory_space<semaphore_mem>>) src(%dma_wait3A_890 : memref<1x1000000xf32, #tpu.memory_space<hbm>>) dst(%arg8 : memref<1x1000000xf32, #tpu.memory_space<vmem_shared>>)
      } else {
      }
      %barrier3A = arith.constant 0 : index
      tpu.barrier barrier_id(%barrier3A)
      %add3A_626 = arith.addi %mul3A_0, %scan3A_623 : i32
      %ge3A = arith.constant 1 : i32
      %ge3A_627 = arith.cmpi sge, %scan3A_623, %ge3A : i32
      %convert_element_type3A_628 = arith.extui %ge3A_627 : i1 to i32
      %cond3A_629 = arith.constant 0 : i32
      %cond3A_630 = arith.cmpi ne, %convert_element_type3A_628, %cond3A_629 : i32
      scf.if %cond3A_630 {
        %dma_wait3A_885 = arith.constant 0 : i32
        %dma_wait3A_886 = arith.constant 0 : i32
        %dma_wait3A_887 = tpu.memref_slice %arg3[%dma_wait3A_885, %dma_wait3A_886] : memref<64x1000000xf32, #tpu.memory_space<hbm>> -> memref<1x5120xf32, #tpu.memory_space<hbm>>
        %dma_wait3A_888 = arith.constant 0 : i32
        %dma_wait3A_889 = arith.constant 0 : i32
        %dma_wait3A_890 = tpu.memref_slice %arg3[%dma_wait3A_888, %dma_wait3A_889] : memref<64x1000000xf32, #tpu.memory_space<hbm>> -> memref<1x5120xf32, #tpu.memory_space<hbm>>
        tpu.wait_dma2 semaphore(%arg12 : memref<!tpu.dma_semaphore, #tpu.memory_space<semaphore_mem>>) src(%dma_wait3A_890 : memref<1x5120xf32, #tpu.memory_space<hbm>>) dst(%arg6 : memref<1x5120xf32, #tpu.memory_space<vmem>>)
      } else {
      }
      %dma_start3A_631 = arith.constant 0 : i32
      %dma_start3A_632 = arith.constant 0 : i32
      %dma_start3A_633 = tpu.memref_slice %arg5[%dma_start3A_631, %dma_start3A_632] : memref<1x51200xi32, #tpu.memory_space<vmem>> -> memref<1x5120xi32, #tpu.memory_space<vmem>>
      %dma_start3A_634 = arith.constant 0 : i32
      %dma_start3A_635 = arith.constant 0 : i32
      %dma_start3A_636 = tpu.memref_slice %arg8[%dma_start3A_634, %dma_start3A_635] : memref<1x1000000xf32, #tpu.memory_space<vmem_shared>> -> memref<1x1000000xf32, #tpu.memory_space<vmem_shared>>
      tpu.enqueue_indirect_dma source(%dma_start3A_636 : memref<1x1000000xf32, #tpu.memory_space<vmem_shared>>) target(%arg6 : memref<1x5120xf32, #tpu.memory_space<vmem>>) offsets(%dma_start3A_633 : memref<1x5120xi32, #tpu.memory_space<vmem>>) semaphore(%arg10 : memref<!tpu.dma_semaphore, #tpu.memory_space<semaphore_mem>>)
      %ge3A_637 = arith.constant 1 : i32
      %ge3A_638 = arith.cmpi sge, %scan3A_623, %ge3A_637 : i32
      %convert_element_type3A_639 = arith.extui %ge3A_638 : i1 to i32
      %cond3A_640 = arith.constant 0 : i32
      %cond3A_641 = arith.cmpi ne, %convert_element_type3A_639, %cond3A_640 : i32
      scf.if %cond3A_641 {
        %dma_wait3A_885 = arith.constant 0 : i32
        %dma_wait3A_886 = arith.constant 0 : i32
        %dma_wait3A_887 = tpu.memref_slice %arg3[%dma_wait3A_885, %dma_wait3A_886] : memref<64x1000000xf32, #tpu.memory_space<hbm>> -> memref<1x5120xf32, #tpu.memory_space<hbm>>
        %dma_wait3A_888 = arith.constant 0 : i32
        %dma_wait3A_889 = arith.constant 0 : i32
        %dma_wait3A_890 = tpu.memref_slice %arg3[%dma_wait3A_888, %dma_wait3A_889] : memref<64x1000000xf32, #tpu.memory_space<hbm>> -> memref<1x5120xf32, #tpu.memory_space<hbm>>
        tpu.wait_dma2 semaphore(%arg13 : memref<!tpu.dma_semaphore, #tpu.memory_space<semaphore_mem>>) src(%dma_wait3A_890 : memref<1x5120xf32, #tpu.memory_space<hbm>>) dst(%arg7 : memref<1x5120xf32, #tpu.memory_space<vmem>>)
      } else {
      }
      %dma_start3A_642 = arith.constant 0 : i32
      %dma_start3A_643 = arith.constant 5120 : i32
      %dma_start3A_644 = tpu.memref_slice %arg5[%dma_start3A_642, %dma_start3A_643] : memref<1x51200xi32, #tpu.memory_space<vmem>> -> memref<1x5120xi32, #tpu.memory_space<vmem>>
      %dma_start3A_645 = arith.constant 0 : i32
      %dma_start3A_646 = arith.constant 0 : i32
      %dma_start3A_647 = tpu.memref_slice %arg8[%dma_start3A_645, %dma_start3A_646] : memref<1x1000000xf32, #tpu.memory_space<vmem_shared>> -> memref<1x1000000xf32, #tpu.memory_space<vmem_shared>>
      tpu.enqueue_indirect_dma source(%dma_start3A_647 : memref<1x1000000xf32, #tpu.memory_space<vmem_shared>>) target(%arg7 : memref<1x5120xf32, #tpu.memory_space<vmem>>) offsets(%dma_start3A_644 : memref<1x5120xi32, #tpu.memory_space<vmem>>) semaphore(%arg11 : memref<!tpu.dma_semaphore, #tpu.memory_space<semaphore_mem>>)
      %dma_wait3A_648 = arith.constant 0 : i32
      %dma_wait3A_649 = arith.constant 0 : i32
      %dma_wait3A_650 = tpu.memref_slice %arg3[%dma_wait3A_648, %dma_wait3A_649] : memref<64x1000000xf32, #tpu.memory_space<hbm>> -> memref<1x5120xf32, #tpu.memory_space<hbm>>
      %dma_wait3A_651 = arith.constant 0 : i32
      %dma_wait3A_652 = arith.constant 0 : i32
      %dma_wait3A_653 = tpu.memref_slice %arg3[%dma_wait3A_651, %dma_wait3A_652] : memref<64x1000000xf32, #tpu.memory_space<hbm>> -> memref<1x5120xf32, #tpu.memory_space<hbm>>
      tpu.wait_dma2 semaphore(%arg10 : memref<!tpu.dma_semaphore, #tpu.memory_space<semaphore_mem>>) src(%dma_wait3A_653 : memref<1x5120xf32, #tpu.memory_space<hbm>>) dst(%arg6 : memref<1x5120xf32, #tpu.memory_space<vmem>>)
      %dma_start3A_654 = tpu.memref_reshape %arg6 : memref<1x5120xf32, #tpu.memory_space<vmem>> -> memref<5x1024xf32, #tpu.memory_space<vmem>>
      %dma_start3A_655 = arith.constant 0 : i32
      %dma_start3A_656 = tpu.memref_slice %arg4[%dma_start3A_655, %add3A_626, %mul3A_2] : memref<50x64x16384xf32, #tpu.memory_space<hbm>> -> memref<5x1x1024xf32, #tpu.memory_space<hbm>>
      %dma_start3A_657 = tpu.memref_squeeze %dma_start3A_656 : memref<5x1x1024xf32, #tpu.memory_space<hbm>> -> memref<5x1024xf32, #tpu.memory_space<hbm>>
      %dma_start3A_658 = arith.constant 0 : i32
      %dma_start3A_659 = tpu.memref_slice %arg4[%dma_start3A_658, %add3A_626, %mul3A_2] : memref<50x64x16384xf32, #tpu.memory_space<hbm>> -> memref<5x1x1024xf32, #tpu.memory_space<hbm>>
      %dma_start3A_660 = tpu.memref_squeeze %dma_start3A_659 : memref<5x1x1024xf32, #tpu.memory_space<hbm>> -> memref<5x1024xf32, #tpu.memory_space<hbm>>
      %dma_start3A_661 = tpu.memref_reshape %arg6 : memref<1x5120xf32, #tpu.memory_space<vmem>> -> memref<5x1024xf32, #tpu.memory_space<vmem>>
      tpu.enqueue_dma source(%dma_start3A_661 : memref<5x1024xf32, #tpu.memory_space<vmem>>) target(%dma_start3A_660 : memref<5x1024xf32, #tpu.memory_space<hbm>>) target_semaphore(%arg12 : memref<!tpu.dma_semaphore, #tpu.memory_space<semaphore_mem>>)
      %dma_wait3A_662 = arith.constant 0 : i32
      %dma_wait3A_663 = arith.constant 0 : i32
      %dma_wait3A_664 = tpu.memref_slice %arg3[%dma_wait3A_662, %dma_wait3A_663] : memref<64x1000000xf32, #tpu.memory_space<hbm>> -> memref<1x5120xf32, #tpu.memory_space<hbm>>
      %dma_wait3A_665 = arith.constant 0 : i32
      %dma_wait3A_666 = arith.constant 0 : i32
      %dma_wait3A_667 = tpu.memref_slice %arg3[%dma_wait3A_665, %dma_wait3A_666] : memref<64x1000000xf32, #tpu.memory_space<hbm>> -> memref<1x5120xf32, #tpu.memory_space<hbm>>
      tpu.wait_dma2 semaphore(%arg12 : memref<!tpu.dma_semaphore, #tpu.memory_space<semaphore_mem>>) src(%dma_wait3A_667 : memref<1x5120xf32, #tpu.memory_space<hbm>>) dst(%arg6 : memref<1x5120xf32, #tpu.memory_space<vmem>>)
      %dma_start3A_668 = arith.constant 0 : i32
      %dma_start3A_669 = arith.constant 10240 : i32
      %dma_start3A_670 = tpu.memref_slice %arg5[%dma_start3A_668, %dma_start3A_669] : memref<1x51200xi32, #tpu.memory_space<vmem>> -> memref<1x5120xi32, #tpu.memory_space<vmem>>
      %dma_start3A_671 = arith.constant 0 : i32
      %dma_start3A_672 = arith.constant 0 : i32
      %dma_start3A_673 = tpu.memref_slice %arg8[%dma_start3A_671, %dma_start3A_672] : memref<1x1000000xf32, #tpu.memory_space<vmem_shared>> -> memref<1x1000000xf32, #tpu.memory_space<vmem_shared>>
      tpu.enqueue_indirect_dma source(%dma_start3A_673 : memref<1x1000000xf32, #tpu.memory_space<vmem_shared>>) target(%arg6 : memref<1x5120xf32, #tpu.memory_space<vmem>>) offsets(%dma_start3A_670 : memref<1x5120xi32, #tpu.memory_space<vmem>>) semaphore(%arg10 : memref<!tpu.dma_semaphore, #tpu.memory_space<semaphore_mem>>)
      %dma_wait3A_674 = arith.constant 0 : i32
      %dma_wait3A_675 = arith.constant 0 : i32
      %dma_wait3A_676 = tpu.memref_slice %arg3[%dma_wait3A_674, %dma_wait3A_675] : memref<64x1000000xf32, #tpu.memory_space<hbm>> -> memref<1x5120xf32, #tpu.memory_space<hbm>>
      %dma_wait3A_677 = arith.constant 0 : i32
      %dma_wait3A_678 = arith.constant 0 : i32
      %dma_wait3A_679 = tpu.memref_slice %arg3[%dma_wait3A_677, %dma_wait3A_678] : memref<64x1000000xf32, #tpu.memory_space<hbm>> -> memref<1x5120xf32, #tpu.memory_space<hbm>>
      tpu.wait_dma2 semaphore(%arg11 : memref<!tpu.dma_semaphore, #tpu.memory_space<semaphore_mem>>) src(%dma_wait3A_679 : memref<1x5120xf32, #tpu.memory_space<hbm>>) dst(%arg7 : memref<1x5120xf32, #tpu.memory_space<vmem>>)
      %dma_start3A_680 = tpu.memref_reshape %arg7 : memref<1x5120xf32, #tpu.memory_space<vmem>> -> memref<5x1024xf32, #tpu.memory_space<vmem>>
      %dma_start3A_681 = arith.constant 5 : i32
      %dma_start3A_682 = tpu.memref_slice %arg4[%dma_start3A_681, %add3A_626, %mul3A_2] : memref<50x64x16384xf32, #tpu.memory_space<hbm>> -> memref<5x1x1024xf32, #tpu.memory_space<hbm>>
      %dma_start3A_683 = tpu.memref_squeeze %dma_start3A_682 : memref<5x1x1024xf32, #tpu.memory_space<hbm>> -> memref<5x1024xf32, #tpu.memory_space<hbm>>
      %dma_start3A_684 = arith.constant 5 : i32
      %dma_start3A_685 = tpu.memref_slice %arg4[%dma_start3A_684, %add3A_626, %mul3A_2] : memref<50x64x16384xf32, #tpu.memory_space<hbm>> -> memref<5x1x1024xf32, #tpu.memory_space<hbm>>
      %dma_start3A_686 = tpu.memref_squeeze %dma_start3A_685 : memref<5x1x1024xf32, #tpu.memory_space<hbm>> -> memref<5x1024xf32, #tpu.memory_space<hbm>>
      %dma_start3A_687 = tpu.memref_reshape %arg7 : memref<1x5120xf32, #tpu.memory_space<vmem>> -> memref<5x1024xf32, #tpu.memory_space<vmem>>
      tpu.enqueue_dma source(%dma_start3A_687 : memref<5x1024xf32, #tpu.memory_space<vmem>>) target(%dma_start3A_686 : memref<5x1024xf32, #tpu.memory_space<hbm>>) target_semaphore(%arg13 : memref<!tpu.dma_semaphore, #tpu.memory_space<semaphore_mem>>)
      %dma_wait3A_688 = arith.constant 0 : i32
      %dma_wait3A_689 = arith.constant 0 : i32
      %dma_wait3A_690 = tpu.memref_slice %arg3[%dma_wait3A_688, %dma_wait3A_689] : memref<64x1000000xf32, #tpu.memory_space<hbm>> -> memref<1x5120xf32, #tpu.memory_space<hbm>>
      %dma_wait3A_691 = arith.constant 0 : i32
      %dma_wait3A_692 = arith.constant 0 : i32
      %dma_wait3A_693 = tpu.memref_slice %arg3[%dma_wait3A_691, %dma_wait3A_692] : memref<64x1000000xf32, #tpu.memory_space<hbm>> -> memref<1x5120xf32, #tpu.memory_space<hbm>>
      tpu.wait_dma2 semaphore(%arg13 : memref<!tpu.dma_semaphore, #tpu.memory_space<semaphore_mem>>) src(%dma_wait3A_693 : memref<1x5120xf32, #tpu.memory_space<hbm>>) dst(%arg7 : memref<1x5120xf32, #tpu.memory_space<vmem>>)
      %dma_start3A_694 = arith.constant 0 : i32
      %dma_start3A_695 = arith.constant 15360 : i32
      %dma_start3A_696 = tpu.memref_slice %arg5[%dma_start3A_694, %dma_start3A_695] : memref<1x51200xi32, #tpu.memory_space<vmem>> -> memref<1x5120xi32, #tpu.memory_space<vmem>>
      %dma_start3A_697 = arith.constant 0 : i32
      %dma_start3A_698 = arith.constant 0 : i32
      %dma_start3A_699 = tpu.memref_slice %arg8[%dma_start3A_697, %dma_start3A_698] : memref<1x1000000xf32, #tpu.memory_space<vmem_shared>> -> memref<1x1000000xf32, #tpu.memory_space<vmem_shared>>
      tpu.enqueue_indirect_dma source(%dma_start3A_699 : memref<1x1000000xf32, #tpu.memory_space<vmem_shared>>) target(%arg7 : memref<1x5120xf32, #tpu.memory_space<vmem>>) offsets(%dma_start3A_696 : memref<1x5120xi32, #tpu.memory_space<vmem>>) semaphore(%arg11 : memref<!tpu.dma_semaphore, #tpu.memory_space<semaphore_mem>>)
      %dma_wait3A_700 = arith.constant 0 : i32
      %dma_wait3A_701 = arith.constant 0 : i32
      %dma_wait3A_702 = tpu.memref_slice %arg3[%dma_wait3A_700, %dma_wait3A_701] : memref<64x1000000xf32, #tpu.memory_space<hbm>> -> memref<1x5120xf32, #tpu.memory_space<hbm>>
      %dma_wait3A_703 = arith.constant 0 : i32
      %dma_wait3A_704 = arith.constant 0 : i32
      %dma_wait3A_705 = tpu.memref_slice %arg3[%dma_wait3A_703, %dma_wait3A_704] : memref<64x1000000xf32, #tpu.memory_space<hbm>> -> memref<1x5120xf32, #tpu.memory_space<hbm>>
      tpu.wait_dma2 semaphore(%arg10 : memref<!tpu.dma_semaphore, #tpu.memory_space<semaphore_mem>>) src(%dma_wait3A_705 : memref<1x5120xf32, #tpu.memory_space<hbm>>) dst(%arg6 : memref<1x5120xf32, #tpu.memory_space<vmem>>)
      %dma_start3A_706 = tpu.memref_reshape %arg6 : memref<1x5120xf32, #tpu.memory_space<vmem>> -> memref<5x1024xf32, #tpu.memory_space<vmem>>
      %dma_start3A_707 = arith.constant 10 : i32
      %dma_start3A_708 = tpu.memref_slice %arg4[%dma_start3A_707, %add3A_626, %mul3A_2] : memref<50x64x16384xf32, #tpu.memory_space<hbm>> -> memref<5x1x1024xf32, #tpu.memory_space<hbm>>
      %dma_start3A_709 = tpu.memref_squeeze %dma_start3A_708 : memref<5x1x1024xf32, #tpu.memory_space<hbm>> -> memref<5x1024xf32, #tpu.memory_space<hbm>>
      %dma_start3A_710 = arith.constant 10 : i32
      %dma_start3A_711 = tpu.memref_slice %arg4[%dma_start3A_710, %add3A_626, %mul3A_2] : memref<50x64x16384xf32, #tpu.memory_space<hbm>> -> memref<5x1x1024xf32, #tpu.memory_space<hbm>>
      %dma_start3A_712 = tpu.memref_squeeze %dma_start3A_711 : memref<5x1x1024xf32, #tpu.memory_space<hbm>> -> memref<5x1024xf32, #tpu.memory_space<hbm>>
      %dma_start3A_713 = tpu.memref_reshape %arg6 : memref<1x5120xf32, #tpu.memory_space<vmem>> -> memref<5x1024xf32, #tpu.memory_space<vmem>>
      tpu.enqueue_dma source(%dma_start3A_713 : memref<5x1024xf32, #tpu.memory_space<vmem>>) target(%dma_start3A_712 : memref<5x1024xf32, #tpu.memory_space<hbm>>) target_semaphore(%arg12 : memref<!tpu.dma_semaphore, #tpu.memory_space<semaphore_mem>>)
      %dma_wait3A_714 = arith.constant 0 : i32
      %dma_wait3A_715 = arith.constant 0 : i32
      %dma_wait3A_716 = tpu.memref_slice %arg3[%dma_wait3A_714, %dma_wait3A_715] : memref<64x1000000xf32, #tpu.memory_space<hbm>> -> memref<1x5120xf32, #tpu.memory_space<hbm>>
      %dma_wait3A_717 = arith.constant 0 : i32
      %dma_wait3A_718 = arith.constant 0 : i32
      %dma_wait3A_719 = tpu.memref_slice %arg3[%dma_wait3A_717, %dma_wait3A_718] : memref<64x1000000xf32, #tpu.memory_space<hbm>> -> memref<1x5120xf32, #tpu.memory_space<hbm>>
      tpu.wait_dma2 semaphore(%arg12 : memref<!tpu.dma_semaphore, #tpu.memory_space<semaphore_mem>>) src(%dma_wait3A_719 : memref<1x5120xf32, #tpu.memory_space<hbm>>) dst(%arg6 : memref<1x5120xf32, #tpu.memory_space<vmem>>)
      %dma_start3A_720 = arith.constant 0 : i32
      %dma_start3A_721 = arith.constant 20480 : i32
      %dma_start3A_722 = tpu.memref_slice %arg5[%dma_start3A_720, %dma_start3A_721] : memref<1x51200xi32, #tpu.memory_space<vmem>> -> memref<1x5120xi32, #tpu.memory_space<vmem>>
      %dma_start3A_723 = arith.constant 0 : i32
      %dma_start3A_724 = arith.constant 0 : i32
      %dma_start3A_725 = tpu.memref_slice %arg8[%dma_start3A_723, %dma_start3A_724] : memref<1x1000000xf32, #tpu.memory_space<vmem_shared>> -> memref<1x1000000xf32, #tpu.memory_space<vmem_shared>>
      tpu.enqueue_indirect_dma source(%dma_start3A_725 : memref<1x1000000xf32, #tpu.memory_space<vmem_shared>>) target(%arg6 : memref<1x5120xf32, #tpu.memory_space<vmem>>) offsets(%dma_start3A_722 : memref<1x5120xi32, #tpu.memory_space<vmem>>) semaphore(%arg10 : memref<!tpu.dma_semaphore, #tpu.memory_space<semaphore_mem>>)
      %dma_wait3A_726 = arith.constant 0 : i32
      %dma_wait3A_727 = arith.constant 0 : i32
      %dma_wait3A_728 = tpu.memref_slice %arg3[%dma_wait3A_726, %dma_wait3A_727] : memref<64x1000000xf32, #tpu.memory_space<hbm>> -> memref<1x5120xf32, #tpu.memory_space<hbm>>
      %dma_wait3A_729 = arith.constant 0 : i32
      %dma_wait3A_730 = arith.constant 0 : i32
      %dma_wait3A_731 = tpu.memref_slice %arg3[%dma_wait3A_729, %dma_wait3A_730] : memref<64x1000000xf32, #tpu.memory_space<hbm>> -> memref<1x5120xf32, #tpu.memory_space<hbm>>
      tpu.wait_dma2 semaphore(%arg11 : memref<!tpu.dma_semaphore, #tpu.memory_space<semaphore_mem>>) src(%dma_wait3A_731 : memref<1x5120xf32, #tpu.memory_space<hbm>>) dst(%arg7 : memref<1x5120xf32, #tpu.memory_space<vmem>>)
      %dma_start3A_732 = tpu.memref_reshape %arg7 : memref<1x5120xf32, #tpu.memory_space<vmem>> -> memref<5x1024xf32, #tpu.memory_space<vmem>>
      %dma_start3A_733 = arith.constant 15 : i32
      %dma_start3A_734 = tpu.memref_slice %arg4[%dma_start3A_733, %add3A_626, %mul3A_2] : memref<50x64x16384xf32, #tpu.memory_space<hbm>> -> memref<5x1x1024xf32, #tpu.memory_space<hbm>>
      %dma_start3A_735 = tpu.memref_squeeze %dma_start3A_734 : memref<5x1x1024xf32, #tpu.memory_space<hbm>> -> memref<5x1024xf32, #tpu.memory_space<hbm>>
      %dma_start3A_736 = arith.constant 15 : i32
      %dma_start3A_737 = tpu.memref_slice %arg4[%dma_start3A_736, %add3A_626, %mul3A_2] : memref<50x64x16384xf32, #tpu.memory_space<hbm>> -> memref<5x1x1024xf32, #tpu.memory_space<hbm>>
      %dma_start3A_738 = tpu.memref_squeeze %dma_start3A_737 : memref<5x1x1024xf32, #tpu.memory_space<hbm>> -> memref<5x1024xf32, #tpu.memory_space<hbm>>
      %dma_start3A_739 = tpu.memref_reshape %arg7 : memref<1x5120xf32, #tpu.memory_space<vmem>> -> memref<5x1024xf32, #tpu.memory_space<vmem>>
      tpu.enqueue_dma source(%dma_start3A_739 : memref<5x1024xf32, #tpu.memory_space<vmem>>) target(%dma_start3A_738 : memref<5x1024xf32, #tpu.memory_space<hbm>>) target_semaphore(%arg13 : memref<!tpu.dma_semaphore, #tpu.memory_space<semaphore_mem>>)
      %dma_wait3A_740 = arith.constant 0 : i32
      %dma_wait3A_741 = arith.constant 0 : i32
      %dma_wait3A_742 = tpu.memref_slice %arg3[%dma_wait3A_740, %dma_wait3A_741] : memref<64x1000000xf32, #tpu.memory_space<hbm>> -> memref<1x5120xf32, #tpu.memory_space<hbm>>
      %dma_wait3A_743 = arith.constant 0 : i32
      %dma_wait3A_744 = arith.constant 0 : i32
      %dma_wait3A_745 = tpu.memref_slice %arg3[%dma_wait3A_743, %dma_wait3A_744] : memref<64x1000000xf32, #tpu.memory_space<hbm>> -> memref<1x5120xf32, #tpu.memory_space<hbm>>
      tpu.wait_dma2 semaphore(%arg13 : memref<!tpu.dma_semaphore, #tpu.memory_space<semaphore_mem>>) src(%dma_wait3A_745 : memref<1x5120xf32, #tpu.memory_space<hbm>>) dst(%arg7 : memref<1x5120xf32, #tpu.memory_space<vmem>>)
      %dma_start3A_746 = arith.constant 0 : i32
      %dma_start3A_747 = arith.constant 25600 : i32
      %dma_start3A_748 = tpu.memref_slice %arg5[%dma_start3A_746, %dma_start3A_747] : memref<1x51200xi32, #tpu.memory_space<vmem>> -> memref<1x5120xi32, #tpu.memory_space<vmem>>
      %dma_start3A_749 = arith.constant 0 : i32
      %dma_start3A_750 = arith.constant 0 : i32
      %dma_start3A_751 = tpu.memref_slice %arg8[%dma_start3A_749, %dma_start3A_750] : memref<1x1000000xf32, #tpu.memory_space<vmem_shared>> -> memref<1x1000000xf32, #tpu.memory_space<vmem_shared>>
      tpu.enqueue_indirect_dma source(%dma_start3A_751 : memref<1x1000000xf32, #tpu.memory_space<vmem_shared>>) target(%arg7 : memref<1x5120xf32, #tpu.memory_space<vmem>>) offsets(%dma_start3A_748 : memref<1x5120xi32, #tpu.memory_space<vmem>>) semaphore(%arg11 : memref<!tpu.dma_semaphore, #tpu.memory_space<semaphore_mem>>)
      %dma_wait3A_752 = arith.constant 0 : i32
      %dma_wait3A_753 = arith.constant 0 : i32
      %dma_wait3A_754 = tpu.memref_slice %arg3[%dma_wait3A_752, %dma_wait3A_753] : memref<64x1000000xf32, #tpu.memory_space<hbm>> -> memref<1x5120xf32, #tpu.memory_space<hbm>>
      %dma_wait3A_755 = arith.constant 0 : i32
      %dma_wait3A_756 = arith.constant 0 : i32
      %dma_wait3A_757 = tpu.memref_slice %arg3[%dma_wait3A_755, %dma_wait3A_756] : memref<64x1000000xf32, #tpu.memory_space<hbm>> -> memref<1x5120xf32, #tpu.memory_space<hbm>>
      tpu.wait_dma2 semaphore(%arg10 : memref<!tpu.dma_semaphore, #tpu.memory_space<semaphore_mem>>) src(%dma_wait3A_757 : memref<1x5120xf32, #tpu.memory_space<hbm>>) dst(%arg6 : memref<1x5120xf32, #tpu.memory_space<vmem>>)
      %dma_start3A_758 = tpu.memref_reshape %arg6 : memref<1x5120xf32, #tpu.memory_space<vmem>> -> memref<5x1024xf32, #tpu.memory_space<vmem>>
      %dma_start3A_759 = arith.constant 20 : i32
      %dma_start3A_760 = tpu.memref_slice %arg4[%dma_start3A_759, %add3A_626, %mul3A_2] : memref<50x64x16384xf32, #tpu.memory_space<hbm>> -> memref<5x1x1024xf32, #tpu.memory_space<hbm>>
      %dma_start3A_761 = tpu.memref_squeeze %dma_start3A_760 : memref<5x1x1024xf32, #tpu.memory_space<hbm>> -> memref<5x1024xf32, #tpu.memory_space<hbm>>
      %dma_start3A_762 = arith.constant 20 : i32
      %dma_start3A_763 = tpu.memref_slice %arg4[%dma_start3A_762, %add3A_626, %mul3A_2] : memref<50x64x16384xf32, #tpu.memory_space<hbm>> -> memref<5x1x1024xf32, #tpu.memory_space<hbm>>
      %dma_start3A_764 = tpu.memref_squeeze %dma_start3A_763 : memref<5x1x1024xf32, #tpu.memory_space<hbm>> -> memref<5x1024xf32, #tpu.memory_space<hbm>>
      %dma_start3A_765 = tpu.memref_reshape %arg6 : memref<1x5120xf32, #tpu.memory_space<vmem>> -> memref<5x1024xf32, #tpu.memory_space<vmem>>
      tpu.enqueue_dma source(%dma_start3A_765 : memref<5x1024xf32, #tpu.memory_space<vmem>>) target(%dma_start3A_764 : memref<5x1024xf32, #tpu.memory_space<hbm>>) target_semaphore(%arg12 : memref<!tpu.dma_semaphore, #tpu.memory_space<semaphore_mem>>)
      %dma_wait3A_766 = arith.constant 0 : i32
      %dma_wait3A_767 = arith.constant 0 : i32
      %dma_wait3A_768 = tpu.memref_slice %arg3[%dma_wait3A_766, %dma_wait3A_767] : memref<64x1000000xf32, #tpu.memory_space<hbm>> -> memref<1x5120xf32, #tpu.memory_space<hbm>>
      %dma_wait3A_769 = arith.constant 0 : i32
      %dma_wait3A_770 = arith.constant 0 : i32
      %dma_wait3A_771 = tpu.memref_slice %arg3[%dma_wait3A_769, %dma_wait3A_770] : memref<64x1000000xf32, #tpu.memory_space<hbm>> -> memref<1x5120xf32, #tpu.memory_space<hbm>>
      tpu.wait_dma2 semaphore(%arg12 : memref<!tpu.dma_semaphore, #tpu.memory_space<semaphore_mem>>) src(%dma_wait3A_771 : memref<1x5120xf32, #tpu.memory_space<hbm>>) dst(%arg6 : memref<1x5120xf32, #tpu.memory_space<vmem>>)
      %dma_start3A_772 = arith.constant 0 : i32
      %dma_start3A_773 = arith.constant 30720 : i32
      %dma_start3A_774 = tpu.memref_slice %arg5[%dma_start3A_772, %dma_start3A_773] : memref<1x51200xi32, #tpu.memory_space<vmem>> -> memref<1x5120xi32, #tpu.memory_space<vmem>>
      %dma_start3A_775 = arith.constant 0 : i32
      %dma_start3A_776 = arith.constant 0 : i32
      %dma_start3A_777 = tpu.memref_slice %arg8[%dma_start3A_775, %dma_start3A_776] : memref<1x1000000xf32, #tpu.memory_space<vmem_shared>> -> memref<1x1000000xf32, #tpu.memory_space<vmem_shared>>
      tpu.enqueue_indirect_dma source(%dma_start3A_777 : memref<1x1000000xf32, #tpu.memory_space<vmem_shared>>) target(%arg6 : memref<1x5120xf32, #tpu.memory_space<vmem>>) offsets(%dma_start3A_774 : memref<1x5120xi32, #tpu.memory_space<vmem>>) semaphore(%arg10 : memref<!tpu.dma_semaphore, #tpu.memory_space<semaphore_mem>>)
      %dma_wait3A_778 = arith.constant 0 : i32
      %dma_wait3A_779 = arith.constant 0 : i32
      %dma_wait3A_780 = tpu.memref_slice %arg3[%dma_wait3A_778, %dma_wait3A_779] : memref<64x1000000xf32, #tpu.memory_space<hbm>> -> memref<1x5120xf32, #tpu.memory_space<hbm>>
      %dma_wait3A_781 = arith.constant 0 : i32
      %dma_wait3A_782 = arith.constant 0 : i32
      %dma_wait3A_783 = tpu.memref_slice %arg3[%dma_wait3A_781, %dma_wait3A_782] : memref<64x1000000xf32, #tpu.memory_space<hbm>> -> memref<1x5120xf32, #tpu.memory_space<hbm>>
      tpu.wait_dma2 semaphore(%arg11 : memref<!tpu.dma_semaphore, #tpu.memory_space<semaphore_mem>>) src(%dma_wait3A_783 : memref<1x5120xf32, #tpu.memory_space<hbm>>) dst(%arg7 : memref<1x5120xf32, #tpu.memory_space<vmem>>)
      %dma_start3A_784 = tpu.memref_reshape %arg7 : memref<1x5120xf32, #tpu.memory_space<vmem>> -> memref<5x1024xf32, #tpu.memory_space<vmem>>
      %dma_start3A_785 = arith.constant 25 : i32
      %dma_start3A_786 = tpu.memref_slice %arg4[%dma_start3A_785, %add3A_626, %mul3A_2] : memref<50x64x16384xf32, #tpu.memory_space<hbm>> -> memref<5x1x1024xf32, #tpu.memory_space<hbm>>
      %dma_start3A_787 = tpu.memref_squeeze %dma_start3A_786 : memref<5x1x1024xf32, #tpu.memory_space<hbm>> -> memref<5x1024xf32, #tpu.memory_space<hbm>>
      %dma_start3A_788 = arith.constant 25 : i32
      %dma_start3A_789 = tpu.memref_slice %arg4[%dma_start3A_788, %add3A_626, %mul3A_2] : memref<50x64x16384xf32, #tpu.memory_space<hbm>> -> memref<5x1x1024xf32, #tpu.memory_space<hbm>>
      %dma_start3A_790 = tpu.memref_squeeze %dma_start3A_789 : memref<5x1x1024xf32, #tpu.memory_space<hbm>> -> memref<5x1024xf32, #tpu.memory_space<hbm>>
      %dma_start3A_791 = tpu.memref_reshape %arg7 : memref<1x5120xf32, #tpu.memory_space<vmem>> -> memref<5x1024xf32, #tpu.memory_space<vmem>>
      tpu.enqueue_dma source(%dma_start3A_791 : memref<5x1024xf32, #tpu.memory_space<vmem>>) target(%dma_start3A_790 : memref<5x1024xf32, #tpu.memory_space<hbm>>) target_semaphore(%arg13 : memref<!tpu.dma_semaphore, #tpu.memory_space<semaphore_mem>>)
      %dma_wait3A_792 = arith.constant 0 : i32
      %dma_wait3A_793 = arith.constant 0 : i32
      %dma_wait3A_794 = tpu.memref_slice %arg3[%dma_wait3A_792, %dma_wait3A_793] : memref<64x1000000xf32, #tpu.memory_space<hbm>> -> memref<1x5120xf32, #tpu.memory_space<hbm>>
      %dma_wait3A_795 = arith.constant 0 : i32
      %dma_wait3A_796 = arith.constant 0 : i32
      %dma_wait3A_797 = tpu.memref_slice %arg3[%dma_wait3A_795, %dma_wait3A_796] : memref<64x1000000xf32, #tpu.memory_space<hbm>> -> memref<1x5120xf32, #tpu.memory_space<hbm>>
      tpu.wait_dma2 semaphore(%arg13 : memref<!tpu.dma_semaphore, #tpu.memory_space<semaphore_mem>>) src(%dma_wait3A_797 : memref<1x5120xf32, #tpu.memory_space<hbm>>) dst(%arg7 : memref<1x5120xf32, #tpu.memory_space<vmem>>)
      %dma_start3A_798 = arith.constant 0 : i32
      %dma_start3A_799 = arith.constant 35840 : i32
      %dma_start3A_800 = tpu.memref_slice %arg5[%dma_start3A_798, %dma_start3A_799] : memref<1x51200xi32, #tpu.memory_space<vmem>> -> memref<1x5120xi32, #tpu.memory_space<vmem>>
      %dma_start3A_801 = arith.constant 0 : i32
      %dma_start3A_802 = arith.constant 0 : i32
      %dma_start3A_803 = tpu.memref_slice %arg8[%dma_start3A_801, %dma_start3A_802] : memref<1x1000000xf32, #tpu.memory_space<vmem_shared>> -> memref<1x1000000xf32, #tpu.memory_space<vmem_shared>>
      tpu.enqueue_indirect_dma source(%dma_start3A_803 : memref<1x1000000xf32, #tpu.memory_space<vmem_shared>>) target(%arg7 : memref<1x5120xf32, #tpu.memory_space<vmem>>) offsets(%dma_start3A_800 : memref<1x5120xi32, #tpu.memory_space<vmem>>) semaphore(%arg11 : memref<!tpu.dma_semaphore, #tpu.memory_space<semaphore_mem>>)
      %dma_wait3A_804 = arith.constant 0 : i32
      %dma_wait3A_805 = arith.constant 0 : i32
      %dma_wait3A_806 = tpu.memref_slice %arg3[%dma_wait3A_804, %dma_wait3A_805] : memref<64x1000000xf32, #tpu.memory_space<hbm>> -> memref<1x5120xf32, #tpu.memory_space<hbm>>
      %dma_wait3A_807 = arith.constant 0 : i32
      %dma_wait3A_808 = arith.constant 0 : i32
      %dma_wait3A_809 = tpu.memref_slice %arg3[%dma_wait3A_807, %dma_wait3A_808] : memref<64x1000000xf32, #tpu.memory_space<hbm>> -> memref<1x5120xf32, #tpu.memory_space<hbm>>
      tpu.wait_dma2 semaphore(%arg10 : memref<!tpu.dma_semaphore, #tpu.memory_space<semaphore_mem>>) src(%dma_wait3A_809 : memref<1x5120xf32, #tpu.memory_space<hbm>>) dst(%arg6 : memref<1x5120xf32, #tpu.memory_space<vmem>>)
      %dma_start3A_810 = tpu.memref_reshape %arg6 : memref<1x5120xf32, #tpu.memory_space<vmem>> -> memref<5x1024xf32, #tpu.memory_space<vmem>>
      %dma_start3A_811 = arith.constant 30 : i32
      %dma_start3A_812 = tpu.memref_slice %arg4[%dma_start3A_811, %add3A_626, %mul3A_2] : memref<50x64x16384xf32, #tpu.memory_space<hbm>> -> memref<5x1x1024xf32, #tpu.memory_space<hbm>>
      %dma_start3A_813 = tpu.memref_squeeze %dma_start3A_812 : memref<5x1x1024xf32, #tpu.memory_space<hbm>> -> memref<5x1024xf32, #tpu.memory_space<hbm>>
      %dma_start3A_814 = arith.constant 30 : i32
      %dma_start3A_815 = tpu.memref_slice %arg4[%dma_start3A_814, %add3A_626, %mul3A_2] : memref<50x64x16384xf32, #tpu.memory_space<hbm>> -> memref<5x1x1024xf32, #tpu.memory_space<hbm>>
      %dma_start3A_816 = tpu.memref_squeeze %dma_start3A_815 : memref<5x1x1024xf32, #tpu.memory_space<hbm>> -> memref<5x1024xf32, #tpu.memory_space<hbm>>
      %dma_start3A_817 = tpu.memref_reshape %arg6 : memref<1x5120xf32, #tpu.memory_space<vmem>> -> memref<5x1024xf32, #tpu.memory_space<vmem>>
      tpu.enqueue_dma source(%dma_start3A_817 : memref<5x1024xf32, #tpu.memory_space<vmem>>) target(%dma_start3A_816 : memref<5x1024xf32, #tpu.memory_space<hbm>>) target_semaphore(%arg12 : memref<!tpu.dma_semaphore, #tpu.memory_space<semaphore_mem>>)
      %dma_wait3A_818 = arith.constant 0 : i32
      %dma_wait3A_819 = arith.constant 0 : i32
      %dma_wait3A_820 = tpu.memref_slice %arg3[%dma_wait3A_818, %dma_wait3A_819] : memref<64x1000000xf32, #tpu.memory_space<hbm>> -> memref<1x5120xf32, #tpu.memory_space<hbm>>
      %dma_wait3A_821 = arith.constant 0 : i32
      %dma_wait3A_822 = arith.constant 0 : i32
      %dma_wait3A_823 = tpu.memref_slice %arg3[%dma_wait3A_821, %dma_wait3A_822] : memref<64x1000000xf32, #tpu.memory_space<hbm>> -> memref<1x5120xf32, #tpu.memory_space<hbm>>
      tpu.wait_dma2 semaphore(%arg12 : memref<!tpu.dma_semaphore, #tpu.memory_space<semaphore_mem>>) src(%dma_wait3A_823 : memref<1x5120xf32, #tpu.memory_space<hbm>>) dst(%arg6 : memref<1x5120xf32, #tpu.memory_space<vmem>>)
      %dma_start3A_824 = arith.constant 0 : i32
      %dma_start3A_825 = arith.constant 40960 : i32
      %dma_start3A_826 = tpu.memref_slice %arg5[%dma_start3A_824, %dma_start3A_825] : memref<1x51200xi32, #tpu.memory_space<vmem>> -> memref<1x5120xi32, #tpu.memory_space<vmem>>
      %dma_start3A_827 = arith.constant 0 : i32
      %dma_start3A_828 = arith.constant 0 : i32
      %dma_start3A_829 = tpu.memref_slice %arg8[%dma_start3A_827, %dma_start3A_828] : memref<1x1000000xf32, #tpu.memory_space<vmem_shared>> -> memref<1x1000000xf32, #tpu.memory_space<vmem_shared>>
      tpu.enqueue_indirect_dma source(%dma_start3A_829 : memref<1x1000000xf32, #tpu.memory_space<vmem_shared>>) target(%arg6 : memref<1x5120xf32, #tpu.memory_space<vmem>>) offsets(%dma_start3A_826 : memref<1x5120xi32, #tpu.memory_space<vmem>>) semaphore(%arg10 : memref<!tpu.dma_semaphore, #tpu.memory_space<semaphore_mem>>)
      %dma_wait3A_830 = arith.constant 0 : i32
      %dma_wait3A_831 = arith.constant 0 : i32
      %dma_wait3A_832 = tpu.memref_slice %arg3[%dma_wait3A_830, %dma_wait3A_831] : memref<64x1000000xf32, #tpu.memory_space<hbm>> -> memref<1x5120xf32, #tpu.memory_space<hbm>>
      %dma_wait3A_833 = arith.constant 0 : i32
      %dma_wait3A_834 = arith.constant 0 : i32
      %dma_wait3A_835 = tpu.memref_slice %arg3[%dma_wait3A_833, %dma_wait3A_834] : memref<64x1000000xf32, #tpu.memory_space<hbm>> -> memref<1x5120xf32, #tpu.memory_space<hbm>>
      tpu.wait_dma2 semaphore(%arg11 : memref<!tpu.dma_semaphore, #tpu.memory_space<semaphore_mem>>) src(%dma_wait3A_835 : memref<1x5120xf32, #tpu.memory_space<hbm>>) dst(%arg7 : memref<1x5120xf32, #tpu.memory_space<vmem>>)
      %dma_start3A_836 = tpu.memref_reshape %arg7 : memref<1x5120xf32, #tpu.memory_space<vmem>> -> memref<5x1024xf32, #tpu.memory_space<vmem>>
      %dma_start3A_837 = arith.constant 35 : i32
      %dma_start3A_838 = tpu.memref_slice %arg4[%dma_start3A_837, %add3A_626, %mul3A_2] : memref<50x64x16384xf32, #tpu.memory_space<hbm>> -> memref<5x1x1024xf32, #tpu.memory_space<hbm>>
      %dma_start3A_839 = tpu.memref_squeeze %dma_start3A_838 : memref<5x1x1024xf32, #tpu.memory_space<hbm>> -> memref<5x1024xf32, #tpu.memory_space<hbm>>
      %dma_start3A_840 = arith.constant 35 : i32
      %dma_start3A_841 = tpu.memref_slice %arg4[%dma_start3A_840, %add3A_626, %mul3A_2] : memref<50x64x16384xf32, #tpu.memory_space<hbm>> -> memref<5x1x1024xf32, #tpu.memory_space<hbm>>
      %dma_start3A_842 = tpu.memref_squeeze %dma_start3A_841 : memref<5x1x1024xf32, #tpu.memory_space<hbm>> -> memref<5x1024xf32, #tpu.memory_space<hbm>>
      %dma_start3A_843 = tpu.memref_reshape %arg7 : memref<1x5120xf32, #tpu.memory_space<vmem>> -> memref<5x1024xf32, #tpu.memory_space<vmem>>
      tpu.enqueue_dma source(%dma_start3A_843 : memref<5x1024xf32, #tpu.memory_space<vmem>>) target(%dma_start3A_842 : memref<5x1024xf32, #tpu.memory_space<hbm>>) target_semaphore(%arg13 : memref<!tpu.dma_semaphore, #tpu.memory_space<semaphore_mem>>)
      %dma_wait3A_844 = arith.constant 0 : i32
      %dma_wait3A_845 = arith.constant 0 : i32
      %dma_wait3A_846 = tpu.memref_slice %arg3[%dma_wait3A_844, %dma_wait3A_845] : memref<64x1000000xf32, #tpu.memory_space<hbm>> -> memref<1x5120xf32, #tpu.memory_space<hbm>>
      %dma_wait3A_847 = arith.constant 0 : i32
      %dma_wait3A_848 = arith.constant 0 : i32
      %dma_wait3A_849 = tpu.memref_slice %arg3[%dma_wait3A_847, %dma_wait3A_848] : memref<64x1000000xf32, #tpu.memory_space<hbm>> -> memref<1x5120xf32, #tpu.memory_space<hbm>>
      tpu.wait_dma2 semaphore(%arg13 : memref<!tpu.dma_semaphore, #tpu.memory_space<semaphore_mem>>) src(%dma_wait3A_849 : memref<1x5120xf32, #tpu.memory_space<hbm>>) dst(%arg7 : memref<1x5120xf32, #tpu.memory_space<vmem>>)
      %dma_start3A_850 = arith.constant 0 : i32
      %dma_start3A_851 = arith.constant 46080 : i32
      %dma_start3A_852 = tpu.memref_slice %arg5[%dma_start3A_850, %dma_start3A_851] : memref<1x51200xi32, #tpu.memory_space<vmem>> -> memref<1x5120xi32, #tpu.memory_space<vmem>>
      %dma_start3A_853 = arith.constant 0 : i32
      %dma_start3A_854 = arith.constant 0 : i32
      %dma_start3A_855 = tpu.memref_slice %arg8[%dma_start3A_853, %dma_start3A_854] : memref<1x1000000xf32, #tpu.memory_space<vmem_shared>> -> memref<1x1000000xf32, #tpu.memory_space<vmem_shared>>
      tpu.enqueue_indirect_dma source(%dma_start3A_855 : memref<1x1000000xf32, #tpu.memory_space<vmem_shared>>) target(%arg7 : memref<1x5120xf32, #tpu.memory_space<vmem>>) offsets(%dma_start3A_852 : memref<1x5120xi32, #tpu.memory_space<vmem>>) semaphore(%arg11 : memref<!tpu.dma_semaphore, #tpu.memory_space<semaphore_mem>>)
      %dma_wait3A_856 = arith.constant 0 : i32
      %dma_wait3A_857 = arith.constant 0 : i32
      %dma_wait3A_858 = tpu.memref_slice %arg3[%dma_wait3A_856, %dma_wait3A_857] : memref<64x1000000xf32, #tpu.memory_space<hbm>> -> memref<1x5120xf32, #tpu.memory_space<hbm>>
      %dma_wait3A_859 = arith.constant 0 : i32
      %dma_wait3A_860 = arith.constant 0 : i32
      %dma_wait3A_861 = tpu.memref_slice %arg3[%dma_wait3A_859, %dma_wait3A_860] : memref<64x1000000xf32, #tpu.memory_space<hbm>> -> memref<1x5120xf32, #tpu.memory_space<hbm>>
      tpu.wait_dma2 semaphore(%arg10 : memref<!tpu.dma_semaphore, #tpu.memory_space<semaphore_mem>>) src(%dma_wait3A_861 : memref<1x5120xf32, #tpu.memory_space<hbm>>) dst(%arg6 : memref<1x5120xf32, #tpu.memory_space<vmem>>)
      %dma_start3A_862 = tpu.memref_reshape %arg6 : memref<1x5120xf32, #tpu.memory_space<vmem>> -> memref<5x1024xf32, #tpu.memory_space<vmem>>
      %dma_start3A_863 = arith.constant 40 : i32
      %dma_start3A_864 = tpu.memref_slice %arg4[%dma_start3A_863, %add3A_626, %mul3A_2] : memref<50x64x16384xf32, #tpu.memory_space<hbm>> -> memref<5x1x1024xf32, #tpu.memory_space<hbm>>
      %dma_start3A_865 = tpu.memref_squeeze %dma_start3A_864 : memref<5x1x1024xf32, #tpu.memory_space<hbm>> -> memref<5x1024xf32, #tpu.memory_space<hbm>>
      %dma_start3A_866 = arith.constant 40 : i32
      %dma_start3A_867 = tpu.memref_slice %arg4[%dma_start3A_866, %add3A_626, %mul3A_2] : memref<50x64x16384xf32, #tpu.memory_space<hbm>> -> memref<5x1x1024xf32, #tpu.memory_space<hbm>>
      %dma_start3A_868 = tpu.memref_squeeze %dma_start3A_867 : memref<5x1x1024xf32, #tpu.memory_space<hbm>> -> memref<5x1024xf32, #tpu.memory_space<hbm>>
      %dma_start3A_869 = tpu.memref_reshape %arg6 : memref<1x5120xf32, #tpu.memory_space<vmem>> -> memref<5x1024xf32, #tpu.memory_space<vmem>>
      tpu.enqueue_dma source(%dma_start3A_869 : memref<5x1024xf32, #tpu.memory_space<vmem>>) target(%dma_start3A_868 : memref<5x1024xf32, #tpu.memory_space<hbm>>) target_semaphore(%arg12 : memref<!tpu.dma_semaphore, #tpu.memory_space<semaphore_mem>>)
      %dma_wait3A_870 = arith.constant 0 : i32
      %dma_wait3A_871 = arith.constant 0 : i32
      %dma_wait3A_872 = tpu.memref_slice %arg3[%dma_wait3A_870, %dma_wait3A_871] : memref<64x1000000xf32, #tpu.memory_space<hbm>> -> memref<1x5120xf32, #tpu.memory_space<hbm>>
      %dma_wait3A_873 = arith.constant 0 : i32
      %dma_wait3A_874 = arith.constant 0 : i32
      %dma_wait3A_875 = tpu.memref_slice %arg3[%dma_wait3A_873, %dma_wait3A_874] : memref<64x1000000xf32, #tpu.memory_space<hbm>> -> memref<1x5120xf32, #tpu.memory_space<hbm>>
      tpu.wait_dma2 semaphore(%arg11 : memref<!tpu.dma_semaphore, #tpu.memory_space<semaphore_mem>>) src(%dma_wait3A_875 : memref<1x5120xf32, #tpu.memory_space<hbm>>) dst(%arg7 : memref<1x5120xf32, #tpu.memory_space<vmem>>)
      %dma_start3A_876 = tpu.memref_reshape %arg7 : memref<1x5120xf32, #tpu.memory_space<vmem>> -> memref<5x1024xf32, #tpu.memory_space<vmem>>
      %dma_start3A_877 = arith.constant 45 : i32
      %dma_start3A_878 = tpu.memref_slice %arg4[%dma_start3A_877, %add3A_626, %mul3A_2] : memref<50x64x16384xf32, #tpu.memory_space<hbm>> -> memref<5x1x1024xf32, #tpu.memory_space<hbm>>
      %dma_start3A_879 = tpu.memref_squeeze %dma_start3A_878 : memref<5x1x1024xf32, #tpu.memory_space<hbm>> -> memref<5x1024xf32, #tpu.memory_space<hbm>>
      %dma_start3A_880 = arith.constant 45 : i32
      %dma_start3A_881 = tpu.memref_slice %arg4[%dma_start3A_880, %add3A_626, %mul3A_2] : memref<50x64x16384xf32, #tpu.memory_space<hbm>> -> memref<5x1x1024xf32, #tpu.memory_space<hbm>>
      %dma_start3A_882 = tpu.memref_squeeze %dma_start3A_881 : memref<5x1x1024xf32, #tpu.memory_space<hbm>> -> memref<5x1024xf32, #tpu.memory_space<hbm>>
      %dma_start3A_883 = tpu.memref_reshape %arg7 : memref<1x5120xf32, #tpu.memory_space<vmem>> -> memref<5x1024xf32, #tpu.memory_space<vmem>>
      tpu.enqueue_dma source(%dma_start3A_883 : memref<5x1024xf32, #tpu.memory_space<vmem>>) target(%dma_start3A_882 : memref<5x1024xf32, #tpu.memory_space<hbm>>) target_semaphore(%arg13 : memref<!tpu.dma_semaphore, #tpu.memory_space<semaphore_mem>>)
      %barrier3A_884 = arith.constant 0 : index
      tpu.barrier barrier_id(%barrier3A_884)
    }
    %scan3A_610 = arith.constant 32 : i32
    %dma_wait3A_611 = arith.constant 0 : i32
    %dma_wait3A_612 = arith.constant 0 : i32
    %dma_wait3A_613 = tpu.memref_slice %arg3[%dma_wait3A_611, %dma_wait3A_612] : memref<64x1000000xf32, #tpu.memory_space<hbm>> -> memref<1x5120xf32, #tpu.memory_space<hbm>>
    %dma_wait3A_614 = arith.constant 0 : i32
    %dma_wait3A_615 = arith.constant 0 : i32
    %dma_wait3A_616 = tpu.memref_slice %arg3[%dma_wait3A_614, %dma_wait3A_615] : memref<64x1000000xf32, #tpu.memory_space<hbm>> -> memref<1x5120xf32, #tpu.memory_space<hbm>>
    tpu.wait_dma2 semaphore(%arg12 : memref<!tpu.dma_semaphore, #tpu.memory_space<semaphore_mem>>) src(%dma_wait3A_616 : memref<1x5120xf32, #tpu.memory_space<hbm>>) dst(%arg6 : memref<1x5120xf32, #tpu.memory_space<vmem>>)
    %dma_wait3A_617 = arith.constant 0 : i32
    %dma_wait3A_618 = arith.constant 0 : i32
    %dma_wait3A_619 = tpu.memref_slice %arg3[%dma_wait3A_617, %dma_wait3A_618] : memref<64x1000000xf32, #tpu.memory_space<hbm>> -> memref<1x5120xf32, #tpu.memory_space<hbm>>
    %dma_wait3A_620 = arith.constant 0 : i32
    %dma_wait3A_621 = arith.constant 0 : i32
    %dma_wait3A_622 = tpu.memref_slice %arg3[%dma_wait3A_620, %dma_wait3A_621] : memref<64x1000000xf32, #tpu.memory_space<hbm>> -> memref<1x5120xf32, #tpu.memory_space<hbm>>
    tpu.wait_dma2 semaphore(%arg13 : memref<!tpu.dma_semaphore, #tpu.memory_space<semaphore_mem>>) src(%dma_wait3A_622 : memref<1x5120xf32, #tpu.memory_space<hbm>>) dst(%arg7 : memref<1x5120xf32, #tpu.memory_space<vmem>>)
    return
  }
}

</mosaic_0001>

<sc_bundles>
// kernel: kernel.3.cloned.1.call-start
scs
__scs_entry_jumppad:
0x0: {  	(pc) =	sbr.rel $0x88, $3  }
0x1: {  	(tag) =	ssettag $0x0;
	lr =	simm.s32 $0x1  }
0x2: {  	[smem:$0x3F9F] =	sst lr;
	_ =	strace $0xD0000000  }
0x3: {  	_ = 	snop  }
0x4: {  	_ = 	snop  }
0x5: {  	_ = 	snop  }
0x6: {  	_ = 	snop  }
0x7: {  	_ = 	snop  }
__scs_overlays_trampoline_lowered:
0x8: {  	[smem:$0x3FAE] =	sst s0  }
0x9: {  	[smem:$0x3FAF] =	sst s1  }
0xa: {  	[smem:$0x3FB0] =	sst s2  }
0xb: {  	[smem:$0x3FB1] =	sst s3  }
0xc: {  	[smem:$0x3FB2] =	sst s4  }
0xd: {  	[smem:$0x3FB3] =	sst s5  }
0xe: {  	[smem:$0x3FB4] =	sst s6  }
0xf: {  	[smem:$0x3FB5] =	sst s7  }
0x10: {  	[smem:$0x3FB6] =	sst s8  }
0x11: {  	[smem:$0x3FB7] =	sst s9;
	s0 =	simm.s32 @!p0 $0x0  }
0x12: {  	s1 =	sld [smem:$0x3F9D];
	s0 =	simm.s32 @p0 $0x1  }
0x13: {  	[smem:$0x3FB8] =	sst s0;
	s0 =	simm.s32 @!p1 $0x0  }
0x14: {  	s2 =	sld [smem:$0x3F9C];
	s0 =	simm.s32 @p1 $0x1  }
0x15: {  	[smem:$0x3FB9] =	sst s0;
	s0 =	simm.s32 @!p2 $0x0  }
0x16: {  	s3 =	sld [smem:$0x3FDB];
	s0 =	simm.s32 @p2 $0x1  }
0x17: {  	s4 =	simm.s32 $0x1BF5;
	[smem:$0x3FBB] =	sst s0  }
0x18: {  	s0 =	sld [smem:$0x3F9E];
	_ =	swait.ge [sflag:s4], $0x0  }
0x19: {  	s7 =	sld [smem:$0x3F9F]  }
0x1a: {  	s8 =	sadd.s32 $0xFFFFE003, lr  }
0x1b: {  	s9 =	sadd.s32 $0xFFFFFEF7, lr;
	s5 =	simm.s32 $0xFFFFFFFF;
	p2 =	slt.u32 s8, $0xFFFFF086  }
0x1c: {  	p1 =	slt.u32 s9, $0xF7A;
	s5 =	simm.s32 @!p2 $0x0  }
0x1d: {  	s5 =	simm.s32 @p1 $0x1;
	p0 =	seq.s32 s7, s2  }
0x1e: {  	s7 =	smul.u32 @!p0 $0xF7A, s2;
	p2 =	seq.s32 @!p0 s5, $0x0  }
0x1f: {  	s9 =	smul.u32 $0xF7A, s1;
	s8 =	simm.s32 @!p0 $0x1BF5;
	p2 =	por !p2, p0  }
0x20: {  	[sflag:s8] =	ssyncset.s32 @!p0 $0xFFFFF086;
	s6 =	sadd.s32 @!p0 s3, s7;
	s7 =	simm.s32 @!p0 $0x108  }
0x21: {  	s3 =	sadd.s32 s3, s9;
	s6 =	sadd.s32 @!p0 $0x88, s6;
	s7 =	simm.s32 @p2 $0x1082  }
0x22: {  	[simem:s7], [sflag:s8] =	dma.local @!p0 [hbm:s6], $0xF7A  }
0x23: {  	s9 =	sor.u32 $0xD0000000, s2;
	s6 =	simm.s32 $0x108;
	_ =	swait.ge @!p0 [sflag:s8], $0x0  }
0x24: {  	s3 =	sadd.s32 $0x88, s3;
	s6 =	simm.s32 @!p1 $0x1082;
	[sflag:s4] =	ssyncset.s32 $0xFFFFF086  }
0x25: {  	[simem:s6], [sflag:s4] =	dma.local [hbm:s3], $0xF7A  }
0x26: {  	[smem:$0x3F9F] =	sst s1;
	(tag) =	ssettag s2;
	_ =	strace s9  }
0x27: {  	s1 =	sld [smem:$0x3FAF]  }
0x28: {  	s2 =	sld [smem:$0x3FB0]  }
0x29: {  	s4 =	sld [smem:$0x3FB2]  }
0x2a: {  	p0 =	seq.s32 s5, $0x0;
	s5 =	sld [smem:$0x3FB3]  }
0x2b: {  	s6 =	sld [smem:$0x3FB4]  }
0x2c: {  	s7 =	sld [smem:$0x3FB5]  }
0x2d: {  	s3 =	simm.s32 $0x108;
	s8 =	sld [smem:$0x3FB6]  }
0x2e: {  	s3 =	simm.s32 @!p0 $0x1082;
	s9 =	sld [smem:$0x3FB7]  }
0x2f: {  	lr =	sadd.s32 s0, s3;
	s0 =	sld [smem:$0x3FAE]  }
0x30: {  	s3 =	sld [smem:$0x3FB1]  }
0x31: {  	[smem:$0x3FBA] =	sst s10  }
0x32: {  	s10 =	sld [smem:$0x3FB8];
	_ =	sdelay $0x3  }
0x33: {  	p0 =	seq.s32 s10, $0x1;
	s10 =	sld [smem:$0x3FBA];
	_ =	sdelay $0x3  }
0x34: {  	[smem:$0x3FBA] =	sst s10  }
0x35: {  	s10 =	sld [smem:$0x3FB9];
	_ =	sdelay $0x3  }
0x36: {  	p1 =	seq.s32 s10, $0x1;
	s10 =	sld [smem:$0x3FBA];
	_ =	sdelay $0x3  }
0x37: {  	[smem:$0x3FBA] =	sst s10  }
0x38: {  	s10 =	sld [smem:$0x3FBB]  }
0x39: {  	_ = 	snop;
	(pc) =	sbr.ind lr, $3  }
0x3a: {  	_ = 	snop  }
0x3b: {  	_ = 	snop  }
0x3c: {  	p2 =	seq.s32 s10, $0x1;
	s10 =	sld [smem:$0x3FBA]  }
0x3d: {  	_ =	shalt  }
0x3e: {  	_ =	shalt  }
0x3f: {  	_ =	shalt  }
0x40: {  	_ =	shalt  }
0x41: {  	_ =	shalt  }
0x42: {  	_ =	shalt  }
0x43: {  	_ =	shalt  }
0x44: {  	_ =	shalt  }
0x45: {  	_ =	shalt  }
0x46: {  	_ =	shalt  }
0x47: {  	_ =	shalt  }
0x48: {  	_ =	shalt  }
0x49: {  	_ =	shalt  }
0x4a: {  	_ =	shalt  }
0x4b: {  	_ =	shalt  }
0x4c: {  	_ =	shalt  }
0x4d: {  	_ =	shalt  }
0x4e: {  	_ =	shalt  }
0x4f: {  	_ =	shalt  }
0x50: {  	_ =	shalt  }
0x51: {  	_ =	shalt  }
0x52: {  	_ =	shalt  }
0x53: {  	_ =	shalt  }
0x54: {  	_ =	shalt  }
0x55: {  	_ =	shalt  }
0x56: {  	_ =	shalt  }
0x57: {  	_ =	shalt  }
0x58: {  	_ =	shalt  }
0x59: {  	_ =	shalt  }
0x5a: {  	_ =	shalt  }
0x5b: {  	_ =	shalt  }
0x5c: {  	_ =	shalt  }
0x5d: {  	_ =	shalt  }
0x5e: {  	_ =	shalt  }
0x5f: {  	_ =	shalt  }
0x60: {  	_ =	shalt  }
0x61: {  	_ =	shalt  }
0x62: {  	_ =	shalt  }
0x63: {  	_ =	shalt  }
0x64: {  	_ =	shalt  }
0x65: {  	_ =	shalt  }
0x66: {  	_ =	shalt  }
0x67: {  	_ =	shalt  }
0x68: {  	_ =	shalt  }
0x69: {  	_ =	shalt  }
0x6a: {  	_ =	shalt  }
0x6b: {  	_ =	shalt  }
0x6c: {  	_ =	shalt  }
0x6d: {  	_ =	shalt  }
0x6e: {  	_ =	shalt  }
0x6f: {  	_ =	shalt  }
0x70: {  	_ =	shalt  }
0x71: {  	_ =	shalt  }
0x72: {  	_ =	shalt  }
0x73: {  	_ =	shalt  }
0x74: {  	_ =	shalt  }
0x75: {  	_ =	shalt  }
0x76: {  	_ =	shalt  }
0x77: {  	_ =	shalt  }
0x78: {  	_ =	shalt  }
0x79: {  	_ =	shalt  }
0x7a: {  	_ =	shalt  }
0x7b: {  	_ =	shalt  }
0x7c: {  	_ =	shalt  }
0x7d: {  	_ =	shalt  }
0x7e: {  	_ =	shalt  }
0x7f: {  	_ =	shalt  }
0x80: {  	_ =	shalt  }
0x81: {  	_ =	shalt  }
0x82: {  	_ =	shalt  }
0x83: {  	_ =	shalt  }
0x84: {  	_ =	shalt  }
0x85: {  	_ =	shalt  }
0x86: {  	_ =	shalt  }
0x87: {  	_ =	shalt  }
.Lfunc_end0:
.L_simem_size_0:
called_computation_lowered:
.L_overlay_start_0:
0x88: {  	s2 =	sld [smem:$0x3FD9]  }
0x89: {  	s3 =	sld [smem:$0x3FFE];
	_ =	sdelay $0x1  }
0x8a: {  	s1 =	srdreg.scid  }
0x8b: {  	s0 =	sand.u32 $0x1, s1  }
0x8c: {  	s17 =	sshll.u32 s0, $0xA;
	s2 =	sadd.s32 s3, s2  }
0x8d: {  	s2 =	sadd.s32 s2, s17  }
0x8e: {  	[smem:$0x3FC6] =	sst s2  }
0x8f: {  	_ = 	snop  }
0x90: {  	s2 =	sld [smem:$0x3FC8]  }
0x91: {  	s18 =	sld [smem:$0x3FD0];
	(tm) =	ssettm $0x1  }
0x92: {  	s4 =	sld [smem:$0x3FFB];
	_ =	sdelay $0x3  }
0x93: {  	_ =	strace s4  }
0x94: {  	s4 =	sld [smem:$0x3FFC];
	_ =	sdelay $0x3  }
0x95: {  	_ =	strace s4  }
0x96: {  	s4 =	sld [smem:$0x3FFD];
	_ =	sdelay $0x3  }
0x97: {  	_ =	strace s4  }
0x98: {  	_ =	strace $0x8FFFFFFF  }
0x99: {  	s19 =	sld [smem:$0x3FDB];
	_ =	sdelay $0x1  }
0x9a: {  	s5 =	simm.s32 $_scs_section_size  }
0x9b: {  	s6 =	simm.s32 $_size__tile_overlayer_lowered;
	s7 =	simm.s32 $_tile_overlayer_lowered  }
0x9c: {  	s22 =	simm.s32 $0x1BFF;
	s21 =	sshll.u32 s7, $0x1;
	s4 =	sadd.s32 s5, s19  }
0x9d: {  	s8 =	simm.s32 $0x0;
	s20 =	sshll.u32 s6, $0x1;
	s6 =	sadd.s32 s21, s4  }
0x9e: {  	[timem:s8], [sflag:s22] =	dma.local [hbm:s6], s20  }
0x9f: {  	_ =	swait.ge [sflag:s22], s20  }
0xa0: {  	s5 =	ssub.s32 $0x0, s20;
	[sflag:s22] =	ssyncset.done $0x0  }
0xa1: {  	[sflag:s22] =	ssyncadd.s32 s5;
	_ =	sdelay $0x1  }
0xa2: {  	s23 =	simm.s32 $0x1B8B  }
0xa3: {  	_ =	swait.ge [sflag:s23], $0x1  }
0xa4: {  	[sflag:s23] =	ssyncset.done $0x0  }
0xa5: {  	s25 =	simm.s32 $0x1B8E;
	s24 =	sld [smem:$0x3FFE];
	[sflag:s23] =	ssyncadd.s32 $0xFFFFFFFF  }
0xa6: {  	s26 =	simm.s32 $execute0_lowered;
	[smem:$0x3FD2] =	sst s25  }
0xa7: {  	s6 =	sshll.u32 s26, $0x1;
	_ =	strace $0x80000046;
	[dreg:$0x1] =	wrdreg $0xFFFFFFFF  }
0xa8: {  	s28 =	simm.s32 $_size_execute0_lowered;
	s4 =	sadd.s32 s4, s6;
	[dreg:$0x0] =	wrdreg $0x0  }
0xa9: {  	s6 =	sshll.u32 s28, $0x1;
	[dreg:$0x2] =	wrdreg s4  }
0xaa: {  	[dreg:$0x3] =	wrdreg s6  }
0xab: {  	[dreg:$0x4] =	wrdreg $0xC0  }
0xac: {  	_ =	task [dreg:s8], $0x5FFFF  }
0xad: {  	[dreg:$0x1] =	wrdreg $0xFFFFFFFF  }
0xae: {  	[dreg:$0x0] =	wrdreg $0x60  }
0xaf: {  	[dreg:$0x2] =	wrdreg s24  }
0xb0: {  	[dreg:$0x3] =	wrdreg s2  }
0xb1: {  	[dreg:$0x4] =	wrdreg s18  }
0xb2: {  	[dreg:$0x5] =	wrdreg $0xF0000  }
0xb3: {  	[dreg:$0x6] =	wrdreg $0x9  }
0xb4: {  	_ =	task.clear_ibuf [dreg:s8], $0x7FFFF;
	_ =	strace $0x90000046  }
0xb5: {  	s29 =	simm.s32 $0x9;
	_ =	strace $0x80000048  }
0xb6: {  	_ =	swait.ge [sflag:s29], $0x1  }
0xb7: {  	[sflag:s29] =	ssyncadd.s32 $0xFFFFFFFF  }
0xb8: {  	_ =	strace $0x90000048  }
0xb9: {  	_ =	sfence  }
0xba: {  	s30 =	sld [smem:$0x0];
	_ =	sdelay $0x2  }
0xbb: {  	s31 =	sshll.u32 s1, $0xD;
	s1 =	sshrl.u32 s1, $0x2  }
0xbc: {  	s3 =	sand.u32 $0x4000, s31;
	s1 =	sadd.s32 s1, s30  }
0xbd: {  	s0 =	sor.u32 s3, s0;
	s1 =	sshll.u32 s1, $0x11  }
0xbe: {  	s0 =	sor.u32 s1, s0  }
0xbf: {  	s0 =	sadd.s32 $0x8F2B, s0  }
0xc0: {  	[sflag:s0] =	ssyncadd.remote.s32 $0x1  }
0xc1: {  	_ =	sfence.sel $0xFFFF  }
0xc2: {  	[dreg:$0x0] =	wrdreg $0xFFFFFFFF;
	(pc) =	sbr.abs _section_cstart, $3  }
0xc3: {  	[dreg:$0x1] =	wrdreg $0xFFFFFFFF  }
0xc4: {  	_ =	task.clear_ibuf [dreg:s8], $0x2FFFF;
	_ =	strace $0x9FFFFFFF  }
0xc5: {  	(tm) =	ssettm $0x7FFFFFFF  }
tec
execute0_lowered:
.L_overlay_start_1:
0x0: {  	(tag) =	ssettag $0x1  }
0x1: {  	s1 =	rddreg [dreg:$0x0]  }
0x2: {  	s0 =	rddreg [dreg:$0x1]  }
0x3: {  	s6 =	rddreg [dreg:$0x2]  }
0x4: {  	s2 =	rddreg [dreg:$0x3]  }
0x5: {  	s4 =	stileid.u32;
	s7 =	simm.s32 $0x0;
	[dreg:$0x5] =	wrdreg s0  }
0x6: {  	[smem:$0x7FF] =	sst s7;
	s19 =	sshll.u32 s4, $0xA  }
0x7: {  	s21 =	sadd.s32 $0xA0000, s6;
	_ =	strace $0x80000047;
	[dreg:$0x6] =	wrdreg s19  }
0x8: {  	s23 =	sadd.s32 $0x140000, s6;
	[dreg:$0x7] =	wrdreg s21  }
0x9: {  	s25 =	sadd.s32 $0x1E0000, s6;
	[dreg:$0x8] =	wrdreg s23  }
0xa: {  	s28 =	sadd.s32 $0x280000, s6;
	[dreg:$0x9] =	wrdreg s25  }
0xb: {  	s3 =	sshll.u32 s4, $0x7;
	s8 =	sadd.s32 $0x320000, s6;
	[dreg:$0xa] =	wrdreg s28  }
0xc: {  	s10 =	sadd.s32 $0x3C0000, s6;
	s1 =	sadd.s32 s3, s1;
	[dreg:$0xb] =	wrdreg s8  }
0xd: {  	[dreg:$0xc] =	wrdreg s10;
	s13 =	sadd.s32 $0x400, s1  }
0xe: {  	s14 =	sadd.s32 $0xC00, s1;
	[dreg:$0x10] =	wrdreg s13  }
0xf: {  	s15 =	sadd.s32 $0x1400, s1;
	[dreg:$0x11] =	wrdreg s14  }
0x10: {  	s16 =	sadd.s32 $0x1C00, s1;
	[dreg:$0x12] =	wrdreg s15  }
0x11: {  	s17 =	sadd.s32 $0x2400, s1;
	[dreg:$0x13] =	wrdreg s16  }
0x12: {  	s18 =	sadd.s32 $0x2C00, s1;
	[dreg:$0x14] =	wrdreg s17  }
0x13: {  	s20 =	sadd.s32 $0x3400, s1;
	[dreg:$0x15] =	wrdreg s18  }
0x14: {  	s22 =	sadd.s32 $0x3C00, s1;
	[dreg:$0x16] =	wrdreg s20  }
0x15: {  	s24 =	sadd.s32 $0x4400, s1;
	[dreg:$0x17] =	wrdreg s22  }
0x16: {  	s26 =	sadd.s32 $0x4C00, s1;
	[dreg:$0x18] =	wrdreg s24  }
0x17: {  	s29 =	sadd.s32 $0x5400, s1;
	[dreg:$0x19] =	wrdreg s26  }
0x18: {  	s11 =	srdreg.scid;
	s9 =	sadd.s32 $0x5C00, s1;
	[dreg:$0x1a] =	wrdreg s29  }
0x19: {  	s0 =	sand.u32 $0x1, s11;
	s11 =	sadd.s32 $0x6400, s1;
	[dreg:$0x1b] =	wrdreg s9  }
0x1a: {  	s19 =	sadd.s32 $0x8C00, s1;
	[dreg:$0x1c] =	wrdreg s11  }
0x1b: {  	s21 =	sadd.s32 $0x9C00, s1;
	[smem:$0x7DA] =	sst s19  }
0x1c: {  	s23 =	sadd.s32 $0xAC00, s1;
	[smem:$0x7DC] =	sst s21  }
0x1d: {  	s25 =	sadd.s32 $0xBC00, s1;
	[smem:$0x7DE] =	sst s23  }
0x1e: {  	s28 =	sadd.s32 $0xCC00, s1;
	[smem:$0x7E0] =	sst s25  }
0x1f: {  	s7 =	sadd.s32 $0xEC00, s1;
	[smem:$0x7E2] =	sst s28  }
0x20: {  	s8 =	sadd.s32 $0xF400, s1;
	[smem:$0x7E6] =	sst s7  }
0x21: {  	s5 =	ssub.s32 $0x2, s0;
	s10 =	sadd.s32 $0x10400, s1;
	[smem:$0x7E7] =	sst s8  }
0x22: {  	s12 =	sshrl.u32 s5, $0x1;
	s13 =	sadd.s32 $0x6C00, s1;
	[smem:$0x7E9] =	sst s10  }
0x23: {  	s3 =	ssub.s32 s5, s12;
	s12 =	sadd.s32 $0x460000, s6;
	[dreg:$0x1d] =	wrdreg s13  }
0x24: {  	s15 =	sadd.s32 $0x7400, s1;
	[dreg:$0xd] =	wrdreg s12  }
0x25: {  	s14 =	sadd.s32 $0x500000, s6;
	[dreg:$0x1e] =	wrdreg s15  }
0x26: {  	s17 =	sadd.s32 $0x7C00, s1;
	[dreg:$0xe] =	wrdreg s14  }
0x27: {  	s18 =	sadd.s32 $0x8400, s1;
	[dreg:$0x1f] =	wrdreg s17  }
0x28: {  	s16 =	sadd.s32 $0x5A0000, s6;
	[smem:$0x7D9] =	sst s18  }
0x29: {  	s20 =	sadd.s32 $0x9400, s1;
	[dreg:$0xf] =	wrdreg s16  }
0x2a: {  	s22 =	sadd.s32 $0xA400, s1;
	[smem:$0x7DB] =	sst s20  }
0x2b: {  	s24 =	sadd.s32 $0xB400, s1;
	[smem:$0x7DD] =	sst s22  }
0x2c: {  	s26 =	sadd.s32 $0xC400, s1;
	[smem:$0x7DF] =	sst s24  }
0x2d: {  	s29 =	sadd.s32 $0xD400, s1;
	[smem:$0x7E1] =	sst s26  }
0x2e: {  	s5 =	sadd.s32 $0xDC00, s1;
	[smem:$0x7E3] =	sst s29  }
0x2f: {  	s6 =	sadd.s32 $0xE400, s1;
	[smem:$0x7E4] =	sst s5  }
0x30: {  	s9 =	sadd.s32 $0xFC00, s1;
	[smem:$0x7E5] =	sst s6  }
0x31: {  	s11 =	sadd.s32 $0x10C00, s1;
	[smem:$0x7E8] =	sst s9  }
0x32: {  	s19 =	sadd.s32 $0x14C00, s1;
	[smem:$0x7EA] =	sst s11  }
0x33: {  	s21 =	sadd.s32 $0x15C00, s1;
	[smem:$0x7F2] =	sst s19  }
0x34: {  	s23 =	sadd.s32 $0x16C00, s1;
	[smem:$0x7F4] =	sst s21  }
0x35: {  	s25 =	sadd.s32 $0x17C00, s1;
	[smem:$0x7F6] =	sst s23  }
0x36: {  	s12 =	sadd.s32 $0x11400, s1;
	[smem:$0x7F8] =	sst s25  }
0x37: {  	s13 =	sadd.s32 $0x11C00, s1;
	[smem:$0x7EB] =	sst s12  }
0x38: {  	s14 =	sadd.s32 $0x12400, s1;
	[smem:$0x7EC] =	sst s13  }
0x39: {  	s15 =	sadd.s32 $0x12C00, s1;
	[smem:$0x7ED] =	sst s14  }
0x3a: {  	s16 =	sadd.s32 $0x13400, s1;
	[smem:$0x7EE] =	sst s15  }
0x3b: {  	s17 =	sadd.s32 $0x13C00, s1;
	[smem:$0x7EF] =	sst s16  }
0x3c: {  	s18 =	sadd.s32 $0x14400, s1;
	[smem:$0x7F0] =	sst s17  }
0x3d: {  	s30 =	simm.s32 $0x400;
	s20 =	sadd.s32 $0x15400, s1;
	[smem:$0x7F1] =	sst s18  }
0x3e: {  	s31 =	simm.s32 $0x1400;
	s22 =	sadd.s32 $0x16400, s1;
	[smem:$0x7F3] =	sst s20  }
0x3f: {  	p0 =	sne.s32 s4, $0x0;
	s24 =	sadd.s32 $0x17400, s1;
	[smem:$0x7F5] =	sst s22  }
0x40: {  	s26 =	sadd.s32 $0x18400, s1;
	s1 =	sadd.s32 $0x18C00, s1;
	[smem:$0x7F7] =	sst s24  }
0x41: {  	s28 =	smax.u32 s3, $0x1;
	s29 =	sshll.u32 s0, $0x5;
	[smem:$0x7F9] =	sst s26  }
0x42: {  	s0 =	sshll.u32 s0, $0x10;
	s11 =	simm.s32 $0x2;
	[smem:$0x7FA] =	sst s1  }
0x43: {  	s19 =	simm.s32 $0x4;
	s21 =	simm.s32 $0xE000;
	[smem:$0x7FB] =	sst s28  }
0x44: {  	s23 =	simm.s32 $0xE800;
	s25 =	simm.s32 $0x5;
	[smem:$0x7FC] =	sst s29  }
0x45: {  	[smem:$0x7FD] =	sst s0;
	s12 =	simm.s32 $0xDC00;
	s13 =	simm.s32 $0x80  }
0x46: {  	s14 =	simm.s32 $0xC800;
	s15 =	simm.s32 $0xCC00;
	s16 =	simm.s32 $0xD000  }
0x47: {  	s17 =	simm.s32 $0xD400;
	s18 =	simm.s32 $0xD800;
	s20 =	simm.s32 $0x3  }
0x48: {  	s22 =	simm.s32 $0xE400;
	s24 =	simm.s32 $0xEC00;
	s1 =	simm.s32 $0x0  }
.LBB2_1:
0x49: {  	[smem:$0x7D8] =	sst s1  }
0x4a: {  	s0 =	rddreg [dreg:$0x10]  }
0x4b: {  	s3 =	simm.s32 $0x0;
	s8 =	rddreg [dreg:$0x11]  }
0x4c: {  	[tilespmem:s3], [sflag:$0x2] =	stream.linear.gather [hbm4b:s0+s3], $0x400, $0x38;
	[tilespmem:$0x1E428] =	vst v63  }
0x4d: {  	s9 =	rddreg [dreg:$0x12]  }
0x4e: {  	[tilespmem:s30], [sflag:$0x2] =	stream.linear.gather [hbm4b:s8+s3], $0x400, $0x38;
	[tilespmem:$0x1E428] =	vst v63  }
0x4f: {  	s10 =	simm.s32 $0x800;
	s26 =	rddreg [dreg:$0x13]  }
0x50: {  	[tilespmem:s10], [sflag:$0x2] =	stream.linear.gather [hbm4b:s9+s3], $0x400, $0x38;
	[tilespmem:$0x1E428] =	vst v63  }
0x51: {  	s29 =	simm.s32 $0xC00;
	s4 =	rddreg [dreg:$0x14]  }
0x52: {  	[tilespmem:s29], [sflag:$0x2] =	stream.linear.gather [hbm4b:s26+s3], $0x400, $0x38;
	[tilespmem:$0x1E428] =	vst v63  }
0x53: {  	s5 =	simm.s32 $0x1000;
	s6 =	rddreg [dreg:$0x15]  }
0x54: {  	[tilespmem:s5], [sflag:$0x2] =	stream.linear.gather [hbm4b:s4+s3], $0x400, $0x38;
	[tilespmem:$0x1E428] =	vst v63  }
0x55: {  	s7 =	rddreg [dreg:$0x16]  }
0x56: {  	[tilespmem:s31], [sflag:$0x2] =	stream.linear.gather [hbm4b:s6+s3], $0x400, $0x38;
	[tilespmem:$0x1E428] =	vst v63  }
0x57: {  	s1 =	rddreg [dreg:$0x19];
	s8 =	simm.s32 $0x1800  }
0x58: {  	[tilespmem:s8], [sflag:$0x2] =	stream.linear.gather [hbm4b:s7+s3], $0x400, $0x38;
	[tilespmem:$0x1E428] =	vst v63  }
0x59: {  	s9 =	rddreg [dreg:$0x17];
	s10 =	simm.s32 $0x1C00  }
0x5a: {  	[tilespmem:s10], [sflag:$0x2] =	stream.linear.gather [hbm4b:s9+s3], $0x400, $0x38;
	[tilespmem:$0x1E428] =	vst v63  }
0x5b: {  	s26 =	rddreg [dreg:$0x18];
	s29 =	simm.s32 $0x2000  }
0x5c: {  	[tilespmem:s29], [sflag:$0x2] =	stream.linear.gather [hbm4b:s26+s3], $0x400, $0x38;
	[tilespmem:$0x1E428] =	vst v63  }
0x5d: {  	s4 =	simm.s32 $0x2400;
	s5 =	rddreg [dreg:$0x1a]  }
0x5e: {  	[tilespmem:s4], [sflag:$0x2] =	stream.linear.gather [hbm4b:s1+s3], $0x400, $0x38;
	[tilespmem:$0x1E428] =	vst v63  }
0x5f: {  	s6 =	rddreg [dreg:$0x1b];
	s8 =	simm.s32 $0x2800  }
0x60: {  	[tilespmem:s8], [sflag:$0x2] =	stream.linear.gather [hbm4b:s5+s3], $0x400, $0x38;
	[tilespmem:$0x1E428] =	vst v63  }
0x61: {  	s7 =	simm.s32 $0x2C00;
	s9 =	rddreg [dreg:$0x1c]  }
0x62: {  	[tilespmem:s7], [sflag:$0x2] =	stream.linear.gather [hbm4b:s6+s3], $0x400, $0x38;
	[tilespmem:$0x1E428] =	vst v63  }
0x63: {  	s10 =	simm.s32 $0x3000;
	s26 =	rddreg [dreg:$0x1d]  }
0x64: {  	[tilespmem:s10], [sflag:$0x2] =	stream.linear.gather [hbm4b:s9+s3], $0x400, $0x38;
	[tilespmem:$0x1E428] =	vst v63  }
0x65: {  	s29 =	simm.s32 $0x3400;
	s4 =	rddreg [dreg:$0x1e]  }
0x66: {  	[tilespmem:s29], [sflag:$0x2] =	stream.linear.gather [hbm4b:s26+s3], $0x400, $0x38;
	[tilespmem:$0x1E428] =	vst v63  }
0x67: {  	s5 =	simm.s32 $0x3800;
	s6 =	rddreg [dreg:$0x1f]  }
0x68: {  	[tilespmem:s5], [sflag:$0x2] =	stream.linear.gather [hbm4b:s4+s3], $0x400, $0x38;
	[tilespmem:$0x1E428] =	vst v63  }
0x69: {  	s7 =	sld [smem:$0x7D9];
	s9 =	simm.s32 $0x3C00  }
0x6a: {  	[tilespmem:s9], [sflag:$0x2] =	stream.linear.gather [hbm4b:s6+s3], $0x400, $0x38;
	[tilespmem:$0x1E428] =	vst v63  }
0x6b: {  	s10 =	simm.s32 $0x4000;
	s26 =	sld [smem:$0x7DA]  }
0x6c: {  	[tilespmem:s10], [sflag:$0x2] =	stream.linear.gather [hbm4b:s7+s3], $0x400, $0x38;
	[tilespmem:$0x1E428] =	vst v63  }
0x6d: {  	s1 =	sld [smem:$0x7DB];
	s29 =	simm.s32 $0x4400  }
0x6e: {  	[tilespmem:s29], [sflag:$0x2] =	stream.linear.gather [hbm4b:s26+s3], $0x400, $0x38;
	[tilespmem:$0x1E428] =	vst v63  }
0x6f: {  	s4 =	simm.s32 $0x4800;
	s5 =	sld [smem:$0x7DC]  }
0x70: {  	[tilespmem:s4], [sflag:$0x2] =	stream.linear.gather [hbm4b:s1+s3], $0x400, $0x38;
	[tilespmem:$0x1E428] =	vst v63  }
0x71: {  	s6 =	simm.s32 $0x4C00;
	s7 =	sld [smem:$0x7DD]  }
0x72: {  	[tilespmem:s6], [sflag:$0x2] =	stream.linear.gather [hbm4b:s5+s3], $0x400, $0x38;
	[tilespmem:$0x1E428] =	vst v63  }
0x73: {  	s10 =	sld [smem:$0x7DE];
	s26 =	simm.s32 $0x5000  }
0x74: {  	[tilespmem:s26], [sflag:$0x2] =	stream.linear.gather [hbm4b:s7+s3], $0x400, $0x38;
	[tilespmem:$0x1E428] =	vst v63  }
0x75: {  	s29 =	simm.s32 $0x5400;
	s4 =	sld [smem:$0x7DF]  }
0x76: {  	[tilespmem:s29], [sflag:$0x2] =	stream.linear.gather [hbm4b:s10+s3], $0x400, $0x38;
	[tilespmem:$0x1E428] =	vst v63  }
0x77: {  	s5 =	simm.s32 $0x5800;
	s6 =	sld [smem:$0x7E0]  }
0x78: {  	[tilespmem:s5], [sflag:$0x2] =	stream.linear.gather [hbm4b:s4+s3], $0x400, $0x38;
	[tilespmem:$0x1E428] =	vst v63  }
0x79: {  	s7 =	simm.s32 $0x5C00;
	s10 =	sld [smem:$0x7E1]  }
0x7a: {  	[tilespmem:s7], [sflag:$0x2] =	stream.linear.gather [hbm4b:s6+s3], $0x400, $0x38;
	[tilespmem:$0x1E428] =	vst v63  }
0x7b: {  	s29 =	simm.s32 $0x6000;
	s4 =	sld [smem:$0x7E2]  }
0x7c: {  	[tilespmem:s29], [sflag:$0x2] =	stream.linear.gather [hbm4b:s10+s3], $0x400, $0x38;
	[tilespmem:$0x1E428] =	vst v63  }
0x7d: {  	s5 =	sld [smem:$0x7E3];
	s29 =	simm.s32 $0x6400  }
0x7e: {  	[tilespmem:s29], [sflag:$0x2] =	stream.linear.gather [hbm4b:s4+s3], $0x400, $0x38;
	[tilespmem:$0x1E428] =	vst v63  }
0x7f: {  	s6 =	simm.s32 $0x6800;
	s7 =	sld [smem:$0x7E4]  }
0x80: {  	[tilespmem:s6], [sflag:$0x2] =	stream.linear.gather [hbm4b:s5+s3], $0x400, $0x38;
	[tilespmem:$0x1E428] =	vst v63  }
0x81: {  	s1 =	sld [smem:$0x7E5];
	s10 =	simm.s32 $0x6C00  }
0x82: {  	[tilespmem:s10], [sflag:$0x2] =	stream.linear.gather [hbm4b:s7+s3], $0x400, $0x38;
	[tilespmem:$0x1E428] =	vst v63  }
0x83: {  	s4 =	simm.s32 $0x7000;
	s5 =	sld [smem:$0x7E6]  }
0x84: {  	[tilespmem:s4], [sflag:$0x2] =	stream.linear.gather [hbm4b:s1+s3], $0x400, $0x38;
	[tilespmem:$0x1E428] =	vst v63  }
0x85: {  	s6 =	simm.s32 $0x7400;
	s7 =	sld [smem:$0x7E7]  }
0x86: {  	[tilespmem:s6], [sflag:$0x2] =	stream.linear.gather [hbm4b:s5+s3], $0x400, $0x38;
	[tilespmem:$0x1E428] =	vst v63  }
0x87: {  	s10 =	simm.s32 $0x7800;
	s1 =	sld [smem:$0x7E8]  }
0x88: {  	[tilespmem:s10], [sflag:$0x2] =	stream.linear.gather [hbm4b:s7+s3], $0x400, $0x38;
	[tilespmem:$0x1E428] =	vst v63  }
0x89: {  	s4 =	simm.s32 $0x7C00;
	s5 =	sld [smem:$0x7E9]  }
0x8a: {  	[tilespmem:s4], [sflag:$0x2] =	stream.linear.gather [hbm4b:s1+s3], $0x400, $0x38;
	[tilespmem:$0x1E428] =	vst v63  }
0x8b: {  	s6 =	simm.s32 $0x8000;
	s7 =	sld [smem:$0x7EA]  }
0x8c: {  	[tilespmem:s6], [sflag:$0x2] =	stream.linear.gather [hbm4b:s5+s3], $0x400, $0x38;
	[tilespmem:$0x1E428] =	vst v63  }
0x8d: {  	s10 =	simm.s32 $0x8400;
	s1 =	sld [smem:$0x7EB]  }
0x8e: {  	[tilespmem:s10], [sflag:$0x2] =	stream.linear.gather [hbm4b:s7+s3], $0x400, $0x38;
	[tilespmem:$0x1E428] =	vst v63  }
0x8f: {  	s4 =	simm.s32 $0x8800;
	s5 =	sld [smem:$0x7EC]  }
0x90: {  	[tilespmem:s4], [sflag:$0x2] =	stream.linear.gather [hbm4b:s1+s3], $0x400, $0x38;
	[tilespmem:$0x1E428] =	vst v63  }
0x91: {  	s6 =	simm.s32 $0x8C00;
	s7 =	sld [smem:$0x7ED]  }
0x92: {  	[tilespmem:s6], [sflag:$0x2] =	stream.linear.gather [hbm4b:s5+s3], $0x400, $0x38;
	[tilespmem:$0x1E428] =	vst v63  }
0x93: {  	s10 =	simm.s32 $0x9000;
	s1 =	sld [smem:$0x7EE]  }
0x94: {  	[tilespmem:s10], [sflag:$0x2] =	stream.linear.gather [hbm4b:s7+s3], $0x400, $0x38;
	[tilespmem:$0x1E428] =	vst v63  }
0x95: {  	s4 =	simm.s32 $0x9400;
	s5 =	sld [smem:$0x7EF]  }
0x96: {  	[tilespmem:s4], [sflag:$0x2] =	stream.linear.gather [hbm4b:s1+s3], $0x400, $0x38;
	[tilespmem:$0x1E428] =	vst v63  }
0x97: {  	s6 =	simm.s32 $0x9800;
	s7 =	sld [smem:$0x7F0]  }
0x98: {  	[tilespmem:s6], [sflag:$0x2] =	stream.linear.gather [hbm4b:s5+s3], $0x400, $0x38;
	[tilespmem:$0x1E428] =	vst v63  }
0x99: {  	s10 =	simm.s32 $0x9C00;
	s1 =	sld [smem:$0x7F1]  }
0x9a: {  	[tilespmem:s10], [sflag:$0x2] =	stream.linear.gather [hbm4b:s7+s3], $0x400, $0x38;
	[tilespmem:$0x1E428] =	vst v63  }
0x9b: {  	s4 =	simm.s32 $0xA000;
	s5 =	sld [smem:$0x7F2]  }
0x9c: {  	[tilespmem:s4], [sflag:$0x2] =	stream.linear.gather [hbm4b:s1+s3], $0x400, $0x38;
	[tilespmem:$0x1E428] =	vst v63  }
0x9d: {  	s6 =	simm.s32 $0xA400;
	s7 =	sld [smem:$0x7F3]  }
0x9e: {  	[tilespmem:s6], [sflag:$0x2] =	stream.linear.gather [hbm4b:s5+s3], $0x400, $0x38;
	[tilespmem:$0x1E428] =	vst v63  }
0x9f: {  	s10 =	simm.s32 $0xA800;
	s1 =	sld [smem:$0x7F4]  }
0xa0: {  	[tilespmem:s10], [sflag:$0x2] =	stream.linear.gather [hbm4b:s7+s3], $0x400, $0x38;
	[tilespmem:$0x1E428] =	vst v63  }
0xa1: {  	s4 =	simm.s32 $0xAC00;
	s5 =	sld [smem:$0x7F5]  }
0xa2: {  	[tilespmem:s4], [sflag:$0x2] =	stream.linear.gather [hbm4b:s1+s3], $0x400, $0x38;
	[tilespmem:$0x1E428] =	vst v63  }
0xa3: {  	s6 =	simm.s32 $0xB000;
	s7 =	sld [smem:$0x7F6]  }
0xa4: {  	[tilespmem:s6], [sflag:$0x2] =	stream.linear.gather [hbm4b:s5+s3], $0x400, $0x38;
	[tilespmem:$0x1E428] =	vst v63  }
0xa5: {  	s10 =	simm.s32 $0xB400;
	s1 =	sld [smem:$0x7F7]  }
0xa6: {  	[tilespmem:s10], [sflag:$0x2] =	stream.linear.gather [hbm4b:s7+s3], $0x400, $0x38;
	[tilespmem:$0x1E428] =	vst v63  }
0xa7: {  	s4 =	simm.s32 $0xB800;
	s5 =	sld [smem:$0x7F8]  }
0xa8: {  	[tilespmem:s4], [sflag:$0x2] =	stream.linear.gather [hbm4b:s1+s3], $0x400, $0x38;
	[tilespmem:$0x1E428] =	vst v63  }
0xa9: {  	s6 =	simm.s32 $0xBC00;
	s7 =	sld [smem:$0x7F9]  }
0xaa: {  	[tilespmem:s6], [sflag:$0x2] =	stream.linear.gather [hbm4b:s5+s3], $0x400, $0x38;
	[tilespmem:$0x1E428] =	vst v63  }
0xab: {  	s10 =	simm.s32 $0xC000;
	s1 =	sld [smem:$0x7FA]  }
0xac: {  	[tilespmem:s10], [sflag:$0x2] =	stream.linear.gather [hbm4b:s7+s3], $0x400, $0x38;
	[tilespmem:$0x1E428] =	vst v63  }
0xad: {  	s7 =	sld [smem:$0x7FC]  }
0xae: {  	s4 =	simm.s32 $0xC400  }
0xaf: {  	[tilespmem:s4], [sflag:$0x2] =	stream.linear.gather [hbm4b:s1+s3], $0x400, $0x38;
	[tilespmem:$0x1E428] =	vst v63  }
0xb0: {  	s0 =	sshrl.u32 @!p0 s7, $0x3  }
0xb1: {  	s28 =	sshrl.u32 @!p0 s2, $0x3;
	s0 =	smul.u32 @!p0 $0x7A1400, s0  }
0xb2: {  	s5 =	simm.s32 @!p0 $0x1C01;
	s6 =	simm.s32 @!p0 $0x10;
	s1 =	sand.u32 @!p0 $0x380, s3  }
0xb3: {  	s10 =	simm.s32 @!p0 $0x80;
	_ =	swait.ge [sflag:s11], $0xC800;
	s0 =	sor.u32 @!p0 s1, s0  }
0xb4: {  	[sflag:s11] =	ssyncset.done $0x0;
	s4 =	rddreg [dreg:$0x5];
	s0 =	sshrl.u32 @!p0 s0, $0x3  }
0xb5: {  	[sflag:s11] =	ssyncadd.s32 $0xFFFF3800;
	s1 =	simm.s32 @!p0 $0x1;
	s0 =	sadd.s32 @!p0 s4, s0  }
0xb6: {  	[spmem:s28@s6], [sflag:s5] =	dma.strided @!p0 [hbm:s0@s10], $0x1E850, s1, $0x10   }
0xb7: {  	_ =	swait.ge @!p0 [sflag:s1], $0x1E850  }
0xb8: {  	p1 =	por $0x1, $0x1;
	[sflag:s1] =	ssyncset.done @!p0 $0x0  }
0xb9: {  	s4 =	simm.s32 @p1 $0x0;
	s0 =	simm.s32 @p1 $0x1400;
	[sflag:s1] =	ssyncadd.s32 @!p0 $0xFFFE17B0  }
0xba: {  	s5 =	simm.s32 @p1 $0xC800;
	s6 =	simm.s32 @!p1 $0x4;
	[bflag:$0x0] =	sbarrier.arrive $0xFFFF  }
0xbb: {  	[tilespmem:s5], [sflag:$0x2] =	stream.indirect.gather @p1 [spmem:s2], $0x1, s4, s0, $0xb8;
	[tilespmem:$0x1E428] =	vst v63  }
0xbc: {  	_ =	swait.ge @!p1 [sflag:s6], $0x1400  }
0xbd: {  	s0 =	simm.s32 @!p1 $0xC800;
	s4 =	simm.s32 @!p1 $0x1400;
	[sflag:s6] =	ssyncset.done @!p1 $0x0  }
0xbe: {  	s5 =	simm.s32 @!p1 $0x0;
	[sflag:s6] =	ssyncadd.s32 @!p1 $0xFFFFEC00;
	s6 =	simm.s32 @!p1 $0x5  }
0xbf: {  	[tilespmem:s0], [sflag:$0x2] =	stream.indirect.gather @!p1 [spmem:s2], $0x1, s5, s4, $0xb8;
	[tilespmem:$0x1E428] =	vst v63  }
0xc0: {  	_ =	swait.ge @!p1 [sflag:s6], $0x1400  }
0xc1: {  	[sflag:s6] =	ssyncset.done @!p1 $0x0  }
0xc2: {  	[sflag:s6] =	ssyncadd.s32 @!p1 $0xFFFFEC00  }
0xc3: {  	[tilespmem:s12], [sflag:$0x3] =	stream.indirect.gather [spmem:s2], $0x1, s31, s31, $0xb8;
	[tilespmem:$0x1E428] =	vst v63  }
0xc4: {  	_ =	swait.ge [sflag:s11], $0x1400  }
0xc5: {  	s10 =	sld [smem:$0x7FD];
	_ =	sdelay $0x2  }
0xc6: {  	s5 =	rddreg [dreg:$0x6];
	[sflag:s11] =	ssyncset.done $0x0;
	s6 =	sand.u32 $0x1C000, s10  }
0xc7: {  	s3 =	sand.u32 $0x70, s3;
	[sflag:s11] =	ssyncadd.s32 $0xFFFFEC00;
	s0 =	sor.u32 s5, s6  }
0xc8: {  	s6 =	rddreg [dreg:$0x2];
	s0 =	sor.u32 s3, s0  }
0xc9: {  	s4 =	sadd.s32 s6, s0  }
0xca: {  	[hbm4b:s4+s13] =	stream.strided.scatter [tilespmem:s14], [sflag:$0x4], $0x400, s30, s13, $0x38;
	[tilespmem:$0x1E428] =	vst v63  }
0xcb: {  	s3 =	sadd.s32 $0x20000, s4  }
0xcc: {  	[hbm4b:s3+s13] =	stream.strided.scatter [tilespmem:s15], [sflag:$0x4], $0x400, s30, s13, $0x38;
	[tilespmem:$0x1E428] =	vst v63  }
0xcd: {  	s6 =	sadd.s32 $0x40000, s4  }
0xce: {  	[hbm4b:s6+s13] =	stream.strided.scatter [tilespmem:s16], [sflag:$0x4], $0x400, s30, s13, $0x38;
	[tilespmem:$0x1E428] =	vst v63  }
0xcf: {  	s3 =	sadd.s32 $0x60000, s4  }
0xd0: {  	[hbm4b:s3+s13] =	stream.strided.scatter [tilespmem:s17], [sflag:$0x4], $0x400, s30, s13, $0x38;
	[tilespmem:$0x1E428] =	vst v63  }
0xd1: {  	s4 =	sadd.s32 $0x80000, s4  }
0xd2: {  	[hbm4b:s4+s13] =	stream.strided.scatter [tilespmem:s18], [sflag:$0x4], $0x400, s30, s13, $0x38;
	[tilespmem:$0x1E428] =	vst v63  }
0xd3: {  	_ =	swait.ge [sflag:s19], $0x1400  }
0xd4: {  	[sflag:s19] =	ssyncset.done $0x0  }
0xd5: {  	[sflag:s19] =	ssyncadd.s32 $0xFFFFEC00  }
0xd6: {  	[tilespmem:s14], [sflag:$0x2] =	stream.indirect.gather [spmem:s2], $0x1, s8, s31, $0xb8;
	[tilespmem:$0x1E428] =	vst v63  }
0xd7: {  	_ =	swait.ge [sflag:s20], $0x1400  }
0xd8: {  	s5 =	rddreg [dreg:$0x7];
	[sflag:s20] =	ssyncset.done $0x0  }
0xd9: {  	[sflag:s20] =	ssyncadd.s32 $0xFFFFEC00;
	s4 =	sadd.s32 s0, s5  }
0xda: {  	[hbm4b:s4+s13] =	stream.strided.scatter [tilespmem:s12], [sflag:$0x5], $0x400, s30, s13, $0x38;
	[tilespmem:$0x1E428] =	vst v63  }
0xdb: {  	s6 =	sadd.s32 $0x20000, s4  }
0xdc: {  	[hbm4b:s6+s13] =	stream.strided.scatter [tilespmem:s21], [sflag:$0x5], $0x400, s30, s13, $0x38;
	[tilespmem:$0x1E428] =	vst v63  }
0xdd: {  	s8 =	sadd.s32 $0x40000, s4  }
0xde: {  	[hbm4b:s8+s13] =	stream.strided.scatter [tilespmem:s22], [sflag:$0x5], $0x400, s30, s13, $0x38;
	[tilespmem:$0x1E428] =	vst v63  }
0xdf: {  	s3 =	sadd.s32 $0x60000, s4  }
0xe0: {  	[hbm4b:s3+s13] =	stream.strided.scatter [tilespmem:s23], [sflag:$0x5], $0x400, s30, s13, $0x38;
	[tilespmem:$0x1E428] =	vst v63  }
0xe1: {  	s4 =	sadd.s32 $0x80000, s4  }
0xe2: {  	[hbm4b:s4+s13] =	stream.strided.scatter [tilespmem:s24], [sflag:$0x5], $0x400, s30, s13, $0x38;
	[tilespmem:$0x1E428] =	vst v63  }
0xe3: {  	_ =	swait.ge [sflag:s25], $0x1400  }
0xe4: {  	[sflag:s25] =	ssyncset.done $0x0  }
0xe5: {  	[sflag:s25] =	ssyncadd.s32 $0xFFFFEC00  }
0xe6: {  	[tilespmem:s12], [sflag:$0x3] =	stream.indirect.gather [spmem:s2], $0x1, s9, s31, $0xb8;
	[tilespmem:$0x1E428] =	vst v63  }
0xe7: {  	_ =	swait.ge [sflag:s11], $0x1400  }
0xe8: {  	s6 =	rddreg [dreg:$0x8];
	[sflag:s11] =	ssyncset.done $0x0  }
0xe9: {  	[sflag:s11] =	ssyncadd.s32 $0xFFFFEC00;
	s4 =	sadd.s32 s0, s6  }
0xea: {  	[hbm4b:s4+s13] =	stream.strided.scatter [tilespmem:s14], [sflag:$0x4], $0x400, s30, s13, $0x38;
	[tilespmem:$0x1E428] =	vst v63  }
0xeb: {  	s8 =	sadd.s32 $0x20000, s4  }
0xec: {  	[hbm4b:s8+s13] =	stream.strided.scatter [tilespmem:s15], [sflag:$0x4], $0x400, s30, s13, $0x38;
	[tilespmem:$0x1E428] =	vst v63  }
0xed: {  	s9 =	sadd.s32 $0x40000, s4  }
0xee: {  	[hbm4b:s9+s13] =	stream.strided.scatter [tilespmem:s16], [sflag:$0x4], $0x400, s30, s13, $0x38;
	[tilespmem:$0x1E428] =	vst v63  }
0xef: {  	s3 =	sadd.s32 $0x60000, s4  }
0xf0: {  	[hbm4b:s3+s13] =	stream.strided.scatter [tilespmem:s17], [sflag:$0x4], $0x400, s30, s13, $0x38;
	[tilespmem:$0x1E428] =	vst v63  }
0xf1: {  	s4 =	sadd.s32 $0x80000, s4  }
0xf2: {  	[hbm4b:s4+s13] =	stream.strided.scatter [tilespmem:s18], [sflag:$0x4], $0x400, s30, s13, $0x38;
	[tilespmem:$0x1E428] =	vst v63  }
0xf3: {  	_ =	swait.ge [sflag:s19], $0x1400  }
0xf4: {  	[sflag:s19] =	ssyncset.done $0x0  }
0xf5: {  	[sflag:s19] =	ssyncadd.s32 $0xFFFFEC00  }
0xf6: {  	[tilespmem:s14], [sflag:$0x2] =	stream.indirect.gather [spmem:s2], $0x1, s26, s31, $0xb8;
	[tilespmem:$0x1E428] =	vst v63  }
0xf7: {  	_ =	swait.ge [sflag:s20], $0x1400  }
0xf8: {  	s6 =	rddreg [dreg:$0x9];
	[sflag:s20] =	ssyncset.done $0x0  }
0xf9: {  	[sflag:s20] =	ssyncadd.s32 $0xFFFFEC00;
	s4 =	sadd.s32 s0, s6  }
0xfa: {  	[hbm4b:s4+s13] =	stream.strided.scatter [tilespmem:s12], [sflag:$0x5], $0x400, s30, s13, $0x38;
	[tilespmem:$0x1E428] =	vst v63  }
0xfb: {  	s8 =	sadd.s32 $0x20000, s4  }
0xfc: {  	[hbm4b:s8+s13] =	stream.strided.scatter [tilespmem:s21], [sflag:$0x5], $0x400, s30, s13, $0x38;
	[tilespmem:$0x1E428] =	vst v63  }
0xfd: {  	s9 =	sadd.s32 $0x40000, s4  }
0xfe: {  	[hbm4b:s9+s13] =	stream.strided.scatter [tilespmem:s22], [sflag:$0x5], $0x400, s30, s13, $0x38;
	[tilespmem:$0x1E428] =	vst v63  }
0xff: {  	s26 =	sadd.s32 $0x60000, s4  }
0x100: {  	[hbm4b:s26+s13] =	stream.strided.scatter [tilespmem:s23], [sflag:$0x5], $0x400, s30, s13, $0x38;
	[tilespmem:$0x1E428] =	vst v63  }
0x101: {  	s4 =	sadd.s32 $0x80000, s4  }
0x102: {  	[hbm4b:s4+s13] =	stream.strided.scatter [tilespmem:s24], [sflag:$0x5], $0x400, s30, s13, $0x38;
	[tilespmem:$0x1E428] =	vst v63  }
0x103: {  	_ =	swait.ge [sflag:s25], $0x1400  }
0x104: {  	[sflag:s25] =	ssyncset.done $0x0  }
0x105: {  	[sflag:s25] =	ssyncadd.s32 $0xFFFFEC00  }
0x106: {  	[tilespmem:s12], [sflag:$0x3] =	stream.indirect.gather [spmem:s2], $0x1, s29, s31, $0xb8;
	[tilespmem:$0x1E428] =	vst v63  }
0x107: {  	_ =	swait.ge [sflag:s11], $0x1400  }
0x108: {  	s29 =	rddreg [dreg:$0xa];
	[sflag:s11] =	ssyncset.done $0x0  }
0x109: {  	[sflag:s11] =	ssyncadd.s32 $0xFFFFEC00;
	s4 =	sadd.s32 s0, s29  }
0x10a: {  	[hbm4b:s4+s13] =	stream.strided.scatter [tilespmem:s14], [sflag:$0x4], $0x400, s30, s13, $0x38;
	[tilespmem:$0x1E428] =	vst v63  }
0x10b: {  	s3 =	sadd.s32 $0x20000, s4  }
0x10c: {  	[hbm4b:s3+s13] =	stream.strided.scatter [tilespmem:s15], [sflag:$0x4], $0x400, s30, s13, $0x38;
	[tilespmem:$0x1E428] =	vst v63  }
0x10d: {  	s6 =	sadd.s32 $0x40000, s4  }
0x10e: {  	[hbm4b:s6+s13] =	stream.strided.scatter [tilespmem:s16], [sflag:$0x4], $0x400, s30, s13, $0x38;
	[tilespmem:$0x1E428] =	vst v63  }
0x10f: {  	s8 =	sadd.s32 $0x60000, s4  }
0x110: {  	[hbm4b:s8+s13] =	stream.strided.scatter [tilespmem:s17], [sflag:$0x4], $0x400, s30, s13, $0x38;
	[tilespmem:$0x1E428] =	vst v63  }
0x111: {  	s4 =	sadd.s32 $0x80000, s4  }
0x112: {  	[hbm4b:s4+s13] =	stream.strided.scatter [tilespmem:s18], [sflag:$0x4], $0x400, s30, s13, $0x38;
	[tilespmem:$0x1E428] =	vst v63  }
0x113: {  	_ =	swait.ge [sflag:s19], $0x1400  }
0x114: {  	[sflag:s19] =	ssyncset.done $0x0  }
0x115: {  	s9 =	simm.s32 $0x7800;
	[sflag:s19] =	ssyncadd.s32 $0xFFFFEC00  }
0x116: {  	[tilespmem:s14], [sflag:$0x2] =	stream.indirect.gather [spmem:s2], $0x1, s9, s31, $0xb8;
	[tilespmem:$0x1E428] =	vst v63  }
0x117: {  	_ =	swait.ge [sflag:s20], $0x1400  }
0x118: {  	s26 =	rddreg [dreg:$0xb];
	[sflag:s20] =	ssyncset.done $0x0  }
0x119: {  	[sflag:s20] =	ssyncadd.s32 $0xFFFFEC00;
	s4 =	sadd.s32 s0, s26  }
0x11a: {  	[hbm4b:s4+s13] =	stream.strided.scatter [tilespmem:s12], [sflag:$0x5], $0x400, s30, s13, $0x38;
	[tilespmem:$0x1E428] =	vst v63  }
0x11b: {  	s29 =	sadd.s32 $0x20000, s4  }
0x11c: {  	[hbm4b:s29+s13] =	stream.strided.scatter [tilespmem:s21], [sflag:$0x5], $0x400, s30, s13, $0x38;
	[tilespmem:$0x1E428] =	vst v63  }
0x11d: {  	s3 =	sadd.s32 $0x40000, s4  }
0x11e: {  	[hbm4b:s3+s13] =	stream.strided.scatter [tilespmem:s22], [sflag:$0x5], $0x400, s30, s13, $0x38;
	[tilespmem:$0x1E428] =	vst v63  }
0x11f: {  	s6 =	sadd.s32 $0x60000, s4  }
0x120: {  	[hbm4b:s6+s13] =	stream.strided.scatter [tilespmem:s23], [sflag:$0x5], $0x400, s30, s13, $0x38;
	[tilespmem:$0x1E428] =	vst v63  }
0x121: {  	s4 =	sadd.s32 $0x80000, s4  }
0x122: {  	[hbm4b:s4+s13] =	stream.strided.scatter [tilespmem:s24], [sflag:$0x5], $0x400, s30, s13, $0x38;
	[tilespmem:$0x1E428] =	vst v63  }
0x123: {  	_ =	swait.ge [sflag:s25], $0x1400  }
0x124: {  	[sflag:s25] =	ssyncset.done $0x0  }
0x125: {  	s8 =	simm.s32 $0x8C00;
	[sflag:s25] =	ssyncadd.s32 $0xFFFFEC00  }
0x126: {  	[tilespmem:s12], [sflag:$0x3] =	stream.indirect.gather [spmem:s2], $0x1, s8, s31, $0xb8;
	[tilespmem:$0x1E428] =	vst v63  }
0x127: {  	_ =	swait.ge [sflag:s11], $0x1400  }
0x128: {  	s9 =	rddreg [dreg:$0xc];
	[sflag:s11] =	ssyncset.done $0x0  }
0x129: {  	[sflag:s11] =	ssyncadd.s32 $0xFFFFEC00;
	s4 =	sadd.s32 s0, s9  }
0x12a: {  	[hbm4b:s4+s13] =	stream.strided.scatter [tilespmem:s14], [sflag:$0x4], $0x400, s30, s13, $0x38;
	[tilespmem:$0x1E428] =	vst v63  }
0x12b: {  	s26 =	sadd.s32 $0x20000, s4  }
0x12c: {  	[hbm4b:s26+s13] =	stream.strided.scatter [tilespmem:s15], [sflag:$0x4], $0x400, s30, s13, $0x38;
	[tilespmem:$0x1E428] =	vst v63  }
0x12d: {  	s29 =	sadd.s32 $0x40000, s4  }
0x12e: {  	[hbm4b:s29+s13] =	stream.strided.scatter [tilespmem:s16], [sflag:$0x4], $0x400, s30, s13, $0x38;
	[tilespmem:$0x1E428] =	vst v63  }
0x12f: {  	s3 =	sadd.s32 $0x60000, s4  }
0x130: {  	[hbm4b:s3+s13] =	stream.strided.scatter [tilespmem:s17], [sflag:$0x4], $0x400, s30, s13, $0x38;
	[tilespmem:$0x1E428] =	vst v63  }
0x131: {  	s4 =	sadd.s32 $0x80000, s4  }
0x132: {  	[hbm4b:s4+s13] =	stream.strided.scatter [tilespmem:s18], [sflag:$0x4], $0x400, s30, s13, $0x38;
	[tilespmem:$0x1E428] =	vst v63  }
0x133: {  	_ =	swait.ge [sflag:s19], $0x1400  }
0x134: {  	[sflag:s19] =	ssyncset.done $0x0  }
0x135: {  	s4 =	simm.s32 $0xA000;
	[sflag:s19] =	ssyncadd.s32 $0xFFFFEC00  }
0x136: {  	[tilespmem:s14], [sflag:$0x2] =	stream.indirect.gather [spmem:s2], $0x1, s4, s31, $0xb8;
	[tilespmem:$0x1E428] =	vst v63  }
0x137: {  	_ =	swait.ge [sflag:s20], $0x1400  }
0x138: {  	s5 =	rddreg [dreg:$0xd];
	[sflag:s20] =	ssyncset.done $0x0  }
0x139: {  	[sflag:s20] =	ssyncadd.s32 $0xFFFFEC00;
	s4 =	sadd.s32 s0, s5  }
0x13a: {  	[hbm4b:s4+s13] =	stream.strided.scatter [tilespmem:s12], [sflag:$0x5], $0x400, s30, s13, $0x38;
	[tilespmem:$0x1E428] =	vst v63  }
0x13b: {  	s6 =	sadd.s32 $0x20000, s4  }
0x13c: {  	[hbm4b:s6+s13] =	stream.strided.scatter [tilespmem:s21], [sflag:$0x5], $0x400, s30, s13, $0x38;
	[tilespmem:$0x1E428] =	vst v63  }
0x13d: {  	s8 =	sadd.s32 $0x40000, s4  }
0x13e: {  	[hbm4b:s8+s13] =	stream.strided.scatter [tilespmem:s22], [sflag:$0x5], $0x400, s30, s13, $0x38;
	[tilespmem:$0x1E428] =	vst v63  }
0x13f: {  	s9 =	sadd.s32 $0x60000, s4  }
0x140: {  	[hbm4b:s9+s13] =	stream.strided.scatter [tilespmem:s23], [sflag:$0x5], $0x400, s30, s13, $0x38;
	[tilespmem:$0x1E428] =	vst v63  }
0x141: {  	s4 =	sadd.s32 $0x80000, s4  }
0x142: {  	[hbm4b:s4+s13] =	stream.strided.scatter [tilespmem:s24], [sflag:$0x5], $0x400, s30, s13, $0x38;
	[tilespmem:$0x1E428] =	vst v63  }
0x143: {  	_ =	swait.ge [sflag:s25], $0x1400  }
0x144: {  	[sflag:s25] =	ssyncset.done $0x0  }
0x145: {  	s26 =	simm.s32 $0xB400;
	[sflag:s25] =	ssyncadd.s32 $0xFFFFEC00  }
0x146: {  	[tilespmem:s12], [sflag:$0x3] =	stream.indirect.gather [spmem:s2], $0x1, s26, s31, $0xb8;
	[tilespmem:$0x1E428] =	vst v63  }
0x147: {  	_ =	swait.ge [sflag:s11], $0x1400  }
0x148: {  	s29 =	rddreg [dreg:$0xe];
	[sflag:s11] =	ssyncset.done $0x0  }
0x149: {  	[sflag:s11] =	ssyncadd.s32 $0xFFFFEC00;
	s4 =	sadd.s32 s0, s29  }
0x14a: {  	[hbm4b:s4+s13] =	stream.strided.scatter [tilespmem:s14], [sflag:$0x4], $0x400, s30, s13, $0x38;
	[tilespmem:$0x1E428] =	vst v63  }
0x14b: {  	s3 =	sadd.s32 $0x20000, s4  }
0x14c: {  	[hbm4b:s3+s13] =	stream.strided.scatter [tilespmem:s15], [sflag:$0x4], $0x400, s30, s13, $0x38;
	[tilespmem:$0x1E428] =	vst v63  }
0x14d: {  	s6 =	sadd.s32 $0x40000, s4  }
0x14e: {  	[hbm4b:s6+s13] =	stream.strided.scatter [tilespmem:s16], [sflag:$0x4], $0x400, s30, s13, $0x38;
	[tilespmem:$0x1E428] =	vst v63  }
0x14f: {  	s8 =	sadd.s32 $0x60000, s4  }
0x150: {  	[hbm4b:s8+s13] =	stream.strided.scatter [tilespmem:s17], [sflag:$0x4], $0x400, s30, s13, $0x38;
	[tilespmem:$0x1E428] =	vst v63  }
0x151: {  	s4 =	sadd.s32 $0x80000, s4  }
0x152: {  	[hbm4b:s4+s13] =	stream.strided.scatter [tilespmem:s18], [sflag:$0x4], $0x400, s30, s13, $0x38;
	[tilespmem:$0x1E428] =	vst v63  }
0x153: {  	_ =	swait.ge [sflag:s20], $0x1400  }
0x154: {  	s6 =	sadd.s32 $0x1, s7;
	s9 =	rddreg [dreg:$0xf];
	[sflag:s20] =	ssyncset.done $0x0  }
0x155: {  	s7 =	simm.s32 $0x20;
	[sflag:s20] =	ssyncadd.s32 $0xFFFFEC00;
	s4 =	sadd.s32 s0, s9  }
0x156: {  	[hbm4b:s4+s13] =	stream.strided.scatter [tilespmem:s12], [sflag:$0x5], $0x400, s30, s13, $0x38;
	[tilespmem:$0x1E428] =	vst v63  }
0x157: {  	s5 =	sshrl.u32 @!p0 s6, $0x3;
	s8 =	sadd.s32 $0x1, s6;
	s0 =	sadd.s32 $0x20000, s4  }
0x158: {  	[hbm4b:s0+s13] =	stream.strided.scatter [tilespmem:s21], [sflag:$0x5], $0x400, s30, s13, $0x38;
	[tilespmem:$0x1E428] =	vst v63  }
0x159: {  	s6 =	simm.s32 $0x80;
	s26 =	sadd.s32 $0x40000, s4;
	s29 =	sadd.s32 $0x60000, s4  }
0x15a: {  	[hbm4b:s26+s13] =	stream.strided.scatter [tilespmem:s22], [sflag:$0x5], $0x400, s30, s13, $0x38;
	[tilespmem:$0x1E428] =	vst v63  }
0x15b: {  	s9 =	sadd.s32 $0x80000, s4;
	s4 =	sadd.s32 $0x800, s10;
	s0 =	simm.s32 $0x10  }
0x15c: {  	[hbm4b:s29+s13] =	stream.strided.scatter [tilespmem:s23], [sflag:$0x5], $0x400, s30, s13, $0x38;
	[tilespmem:$0x1E428] =	vst v63  }
.LBB2_2:
0x15d: {  	[hbm4b:s9+s13] =	stream.strided.scatter [tilespmem:s24], [sflag:$0x5], $0x400, s30, s13, $0x38;
	[tilespmem:$0x1E428] =	vst v63  }
0x15e: {  	s10 =	smul.u32 @!p0 $0x7A1400, s5  }
0x15f: {  	s29 =	sand.u32 @!p0 $0x380, s6  }
0x160: {  	[bflag:$0x0] =	sbarrier.arrive $0xFFFF;
	s10 =	sor.u32 @!p0 s29, s10  }
0x161: {  	s3 =	simm.s32 @!p0 $0x1C01;
	s26 =	rddreg [dreg:$0x5];
	s10 =	sshrl.u32 @!p0 s10, $0x3  }
0x162: {  	s29 =	simm.s32 @!p0 $0x80;
	s10 =	sadd.s32 @!p0 s26, s10;
	s26 =	simm.s32 @!p0 $0x10  }
0x163: {  	[spmem:s28@s26], [sflag:s3] =	dma.strided @!p0 [hbm:s10@s29], $0x1E850, s1, $0x10   }
0x164: {  	_ =	swait.ge @!p0 [sflag:s1], $0x1E850  }
0x165: {  	p2 =	seq.s32 s0, $0x0;
	[sflag:s1] =	ssyncset.done @!p0 $0x0  }
0x166: {  	s10 =	simm.s32 @p2 $0x1400;
	s26 =	simm.s32 @p2 $0x0;
	[sflag:s1] =	ssyncadd.s32 @!p0 $0xFFFE17B0  }
0x167: {  	s29 =	simm.s32 @p2 $0xC800;
	s3 =	simm.s32 @!p2 $0x4;
	[bflag:$0x0] =	sbarrier.arrive $0xFFFF  }
0x168: {  	[tilespmem:s29], [sflag:$0x2] =	stream.indirect.gather @p2 [spmem:s2], $0x1, s26, s10, $0xb8;
	[tilespmem:$0x1E428] =	vst v63  }
0x169: {  	_ =	swait.ge @!p2 [sflag:s3], $0x1400  }
0x16a: {  	s10 =	simm.s32 @!p2 $0xC800;
	s26 =	simm.s32 @!p2 $0x1400;
	[sflag:s3] =	ssyncset.done @!p2 $0x0  }
0x16b: {  	s29 =	simm.s32 @!p2 $0x0;
	[sflag:s3] =	ssyncadd.s32 @!p2 $0xFFFFEC00;
	s3 =	simm.s32 @!p2 $0x5  }
0x16c: {  	[tilespmem:s10], [sflag:$0x2] =	stream.indirect.gather @!p2 [spmem:s2], $0x1, s29, s26, $0xb8;
	[tilespmem:$0x1E428] =	vst v63  }
0x16d: {  	_ =	swait.ge @!p2 [sflag:s3], $0x1400  }
0x16e: {  	[sflag:s3] =	ssyncset.done @!p2 $0x0  }
0x16f: {  	[sflag:s3] =	ssyncadd.s32 @!p2 $0xFFFFEC00  }
0x170: {  	[tilespmem:s12], [sflag:$0x3] =	stream.indirect.gather [spmem:s2], $0x1, s31, s31, $0xb8;
	[tilespmem:$0x1E428] =	vst v63  }
0x171: {  	s9 =	smov.u32 s7;
	_ =	swait.ge [sflag:s11], $0x1400  }
0x172: {  	s26 =	sand.u32 $0x1C000, s4;
	s10 =	rddreg [dreg:$0x6];
	[sflag:s11] =	ssyncset.done $0x0  }
0x173: {  	s29 =	sand.u32 $0x70, s0;
	s3 =	sor.u32 s10, s26;
	[sflag:s11] =	ssyncadd.s32 $0xFFFFEC00  }
0x174: {  	s0 =	smov.u32 s9;
	s9 =	sor.u32 s29, s3;
	s26 =	rddreg [dreg:$0x2]  }
0x175: {  	s3 =	sadd.s32 s26, s9  }
0x176: {  	[hbm4b:s3+s13] =	stream.strided.scatter [tilespmem:s14], [sflag:$0x4], $0x400, s30, s13, $0x38;
	[tilespmem:$0x1E428] =	vst v63  }
0x177: {  	s29 =	sadd.s32 $0x20000, s3  }
0x178: {  	[hbm4b:s29+s13] =	stream.strided.scatter [tilespmem:s15], [sflag:$0x4], $0x400, s30, s13, $0x38;
	[tilespmem:$0x1E428] =	vst v63  }
0x179: {  	s26 =	sadd.s32 $0x40000, s3  }
0x17a: {  	[hbm4b:s26+s13] =	stream.strided.scatter [tilespmem:s16], [sflag:$0x4], $0x400, s30, s13, $0x38;
	[tilespmem:$0x1E428] =	vst v63  }
0x17b: {  	s29 =	sadd.s32 $0x60000, s3  }
0x17c: {  	[hbm4b:s29+s13] =	stream.strided.scatter [tilespmem:s17], [sflag:$0x4], $0x400, s30, s13, $0x38;
	[tilespmem:$0x1E428] =	vst v63  }
0x17d: {  	s3 =	sadd.s32 $0x80000, s3  }
0x17e: {  	[hbm4b:s3+s13] =	stream.strided.scatter [tilespmem:s18], [sflag:$0x4], $0x400, s30, s13, $0x38;
	[tilespmem:$0x1E428] =	vst v63  }
0x17f: {  	_ =	swait.ge [sflag:s19], $0x1400  }
0x180: {  	[sflag:s19] =	ssyncset.done $0x0  }
0x181: {  	s10 =	simm.s32 $0x2800;
	[sflag:s19] =	ssyncadd.s32 $0xFFFFEC00  }
0x182: {  	[tilespmem:s14], [sflag:$0x2] =	stream.indirect.gather [spmem:s2], $0x1, s10, s31, $0xb8;
	[tilespmem:$0x1E428] =	vst v63  }
0x183: {  	_ =	swait.ge [sflag:s20], $0x1400  }
0x184: {  	s26 =	rddreg [dreg:$0x7];
	[sflag:s20] =	ssyncset.done $0x0  }
0x185: {  	[sflag:s20] =	ssyncadd.s32 $0xFFFFEC00;
	s3 =	sadd.s32 s9, s26  }
0x186: {  	[hbm4b:s3+s13] =	stream.strided.scatter [tilespmem:s12], [sflag:$0x5], $0x400, s30, s13, $0x38;
	[tilespmem:$0x1E428] =	vst v63  }
0x187: {  	s29 =	sadd.s32 $0x20000, s3  }
0x188: {  	[hbm4b:s29+s13] =	stream.strided.scatter [tilespmem:s21], [sflag:$0x5], $0x400, s30, s13, $0x38;
	[tilespmem:$0x1E428] =	vst v63  }
0x189: {  	s26 =	sadd.s32 $0x40000, s3  }
0x18a: {  	[hbm4b:s26+s13] =	stream.strided.scatter [tilespmem:s22], [sflag:$0x5], $0x400, s30, s13, $0x38;
	[tilespmem:$0x1E428] =	vst v63  }
0x18b: {  	s29 =	sadd.s32 $0x60000, s3  }
0x18c: {  	[hbm4b:s29+s13] =	stream.strided.scatter [tilespmem:s23], [sflag:$0x5], $0x400, s30, s13, $0x38;
	[tilespmem:$0x1E428] =	vst v63  }
0x18d: {  	s3 =	sadd.s32 $0x80000, s3  }
0x18e: {  	[hbm4b:s3+s13] =	stream.strided.scatter [tilespmem:s24], [sflag:$0x5], $0x400, s30, s13, $0x38;
	[tilespmem:$0x1E428] =	vst v63  }
0x18f: {  	_ =	swait.ge [sflag:s25], $0x1400  }
0x190: {  	[sflag:s25] =	ssyncset.done $0x0  }
0x191: {  	s10 =	simm.s32 $0x3C00;
	[sflag:s25] =	ssyncadd.s32 $0xFFFFEC00  }
0x192: {  	[tilespmem:s12], [sflag:$0x3] =	stream.indirect.gather [spmem:s2], $0x1, s10, s31, $0xb8;
	[tilespmem:$0x1E428] =	vst v63  }
0x193: {  	_ =	swait.ge [sflag:s11], $0x1400  }
0x194: {  	s26 =	rddreg [dreg:$0x8];
	[sflag:s11] =	ssyncset.done $0x0  }
0x195: {  	[sflag:s11] =	ssyncadd.s32 $0xFFFFEC00;
	s3 =	sadd.s32 s9, s26  }
0x196: {  	[hbm4b:s3+s13] =	stream.strided.scatter [tilespmem:s14], [sflag:$0x4], $0x400, s30, s13, $0x38;
	[tilespmem:$0x1E428] =	vst v63  }
0x197: {  	s29 =	sadd.s32 $0x20000, s3  }
0x198: {  	[hbm4b:s29+s13] =	stream.strided.scatter [tilespmem:s15], [sflag:$0x4], $0x400, s30, s13, $0x38;
	[tilespmem:$0x1E428] =	vst v63  }
0x199: {  	s26 =	sadd.s32 $0x40000, s3  }
0x19a: {  	[hbm4b:s26+s13] =	stream.strided.scatter [tilespmem:s16], [sflag:$0x4], $0x400, s30, s13, $0x38;
	[tilespmem:$0x1E428] =	vst v63  }
0x19b: {  	s29 =	sadd.s32 $0x60000, s3  }
0x19c: {  	[hbm4b:s29+s13] =	stream.strided.scatter [tilespmem:s17], [sflag:$0x4], $0x400, s30, s13, $0x38;
	[tilespmem:$0x1E428] =	vst v63  }
0x19d: {  	s3 =	sadd.s32 $0x80000, s3  }
0x19e: {  	[hbm4b:s3+s13] =	stream.strided.scatter [tilespmem:s18], [sflag:$0x4], $0x400, s30, s13, $0x38;
	[tilespmem:$0x1E428] =	vst v63  }
0x19f: {  	_ =	swait.ge [sflag:s19], $0x1400  }
0x1a0: {  	[sflag:s19] =	ssyncset.done $0x0  }
0x1a1: {  	s10 =	simm.s32 $0x5000;
	[sflag:s19] =	ssyncadd.s32 $0xFFFFEC00  }
0x1a2: {  	[tilespmem:s14], [sflag:$0x2] =	stream.indirect.gather [spmem:s2], $0x1, s10, s31, $0xb8;
	[tilespmem:$0x1E428] =	vst v63  }
0x1a3: {  	_ =	swait.ge [sflag:s20], $0x1400  }
0x1a4: {  	s26 =	rddreg [dreg:$0x9];
	[sflag:s20] =	ssyncset.done $0x0  }
0x1a5: {  	[sflag:s20] =	ssyncadd.s32 $0xFFFFEC00;
	s3 =	sadd.s32 s9, s26  }
0x1a6: {  	[hbm4b:s3+s13] =	stream.strided.scatter [tilespmem:s12], [sflag:$0x5], $0x400, s30, s13, $0x38;
	[tilespmem:$0x1E428] =	vst v63  }
0x1a7: {  	s29 =	sadd.s32 $0x20000, s3  }
0x1a8: {  	[hbm4b:s29+s13] =	stream.strided.scatter [tilespmem:s21], [sflag:$0x5], $0x400, s30, s13, $0x38;
	[tilespmem:$0x1E428] =	vst v63  }
0x1a9: {  	s26 =	sadd.s32 $0x40000, s3  }
0x1aa: {  	[hbm4b:s26+s13] =	stream.strided.scatter [tilespmem:s22], [sflag:$0x5], $0x400, s30, s13, $0x38;
	[tilespmem:$0x1E428] =	vst v63  }
0x1ab: {  	s29 =	sadd.s32 $0x60000, s3  }
0x1ac: {  	[hbm4b:s29+s13] =	stream.strided.scatter [tilespmem:s23], [sflag:$0x5], $0x400, s30, s13, $0x38;
	[tilespmem:$0x1E428] =	vst v63  }
0x1ad: {  	s3 =	sadd.s32 $0x80000, s3  }
0x1ae: {  	[hbm4b:s3+s13] =	stream.strided.scatter [tilespmem:s24], [sflag:$0x5], $0x400, s30, s13, $0x38;
	[tilespmem:$0x1E428] =	vst v63  }
0x1af: {  	_ =	swait.ge [sflag:s25], $0x1400  }
0x1b0: {  	[sflag:s25] =	ssyncset.done $0x0  }
0x1b1: {  	s10 =	simm.s32 $0x6400;
	[sflag:s25] =	ssyncadd.s32 $0xFFFFEC00  }
0x1b2: {  	[tilespmem:s12], [sflag:$0x3] =	stream.indirect.gather [spmem:s2], $0x1, s10, s31, $0xb8;
	[tilespmem:$0x1E428] =	vst v63  }
0x1b3: {  	_ =	swait.ge [sflag:s11], $0x1400  }
0x1b4: {  	s26 =	rddreg [dreg:$0xa];
	[sflag:s11] =	ssyncset.done $0x0  }
0x1b5: {  	[sflag:s11] =	ssyncadd.s32 $0xFFFFEC00;
	s3 =	sadd.s32 s9, s26  }
0x1b6: {  	[hbm4b:s3+s13] =	stream.strided.scatter [tilespmem:s14], [sflag:$0x4], $0x400, s30, s13, $0x38;
	[tilespmem:$0x1E428] =	vst v63  }
0x1b7: {  	s29 =	sadd.s32 $0x20000, s3  }
0x1b8: {  	[hbm4b:s29+s13] =	stream.strided.scatter [tilespmem:s15], [sflag:$0x4], $0x400, s30, s13, $0x38;
	[tilespmem:$0x1E428] =	vst v63  }
0x1b9: {  	s26 =	sadd.s32 $0x40000, s3  }
0x1ba: {  	[hbm4b:s26+s13] =	stream.strided.scatter [tilespmem:s16], [sflag:$0x4], $0x400, s30, s13, $0x38;
	[tilespmem:$0x1E428] =	vst v63  }
0x1bb: {  	s29 =	sadd.s32 $0x60000, s3  }
0x1bc: {  	[hbm4b:s29+s13] =	stream.strided.scatter [tilespmem:s17], [sflag:$0x4], $0x400, s30, s13, $0x38;
	[tilespmem:$0x1E428] =	vst v63  }
0x1bd: {  	s3 =	sadd.s32 $0x80000, s3  }
0x1be: {  	[hbm4b:s3+s13] =	stream.strided.scatter [tilespmem:s18], [sflag:$0x4], $0x400, s30, s13, $0x38;
	[tilespmem:$0x1E428] =	vst v63  }
0x1bf: {  	_ =	swait.ge [sflag:s19], $0x1400  }
0x1c0: {  	[sflag:s19] =	ssyncset.done $0x0  }
0x1c1: {  	s10 =	simm.s32 $0x7800;
	[sflag:s19] =	ssyncadd.s32 $0xFFFFEC00  }
0x1c2: {  	[tilespmem:s14], [sflag:$0x2] =	stream.indirect.gather [spmem:s2], $0x1, s10, s31, $0xb8;
	[tilespmem:$0x1E428] =	vst v63  }
0x1c3: {  	_ =	swait.ge [sflag:s20], $0x1400  }
0x1c4: {  	s26 =	rddreg [dreg:$0xb];
	[sflag:s20] =	ssyncset.done $0x0  }
0x1c5: {  	[sflag:s20] =	ssyncadd.s32 $0xFFFFEC00;
	s3 =	sadd.s32 s9, s26  }
0x1c6: {  	[hbm4b:s3+s13] =	stream.strided.scatter [tilespmem:s12], [sflag:$0x5], $0x400, s30, s13, $0x38;
	[tilespmem:$0x1E428] =	vst v63  }
0x1c7: {  	s29 =	sadd.s32 $0x20000, s3  }
0x1c8: {  	[hbm4b:s29+s13] =	stream.strided.scatter [tilespmem:s21], [sflag:$0x5], $0x400, s30, s13, $0x38;
	[tilespmem:$0x1E428] =	vst v63  }
0x1c9: {  	s26 =	sadd.s32 $0x40000, s3  }
0x1ca: {  	[hbm4b:s26+s13] =	stream.strided.scatter [tilespmem:s22], [sflag:$0x5], $0x400, s30, s13, $0x38;
	[tilespmem:$0x1E428] =	vst v63  }
0x1cb: {  	s29 =	sadd.s32 $0x60000, s3  }
0x1cc: {  	[hbm4b:s29+s13] =	stream.strided.scatter [tilespmem:s23], [sflag:$0x5], $0x400, s30, s13, $0x38;
	[tilespmem:$0x1E428] =	vst v63  }
0x1cd: {  	s3 =	sadd.s32 $0x80000, s3  }
0x1ce: {  	[hbm4b:s3+s13] =	stream.strided.scatter [tilespmem:s24], [sflag:$0x5], $0x400, s30, s13, $0x38;
	[tilespmem:$0x1E428] =	vst v63  }
0x1cf: {  	_ =	swait.ge [sflag:s25], $0x1400  }
0x1d0: {  	[sflag:s25] =	ssyncset.done $0x0  }
0x1d1: {  	s10 =	simm.s32 $0x8C00;
	[sflag:s25] =	ssyncadd.s32 $0xFFFFEC00  }
0x1d2: {  	[tilespmem:s12], [sflag:$0x3] =	stream.indirect.gather [spmem:s2], $0x1, s10, s31, $0xb8;
	[tilespmem:$0x1E428] =	vst v63  }
0x1d3: {  	_ =	swait.ge [sflag:s11], $0x1400  }
0x1d4: {  	s26 =	rddreg [dreg:$0xc];
	[sflag:s11] =	ssyncset.done $0x0  }
0x1d5: {  	[sflag:s11] =	ssyncadd.s32 $0xFFFFEC00;
	s3 =	sadd.s32 s9, s26  }
0x1d6: {  	[hbm4b:s3+s13] =	stream.strided.scatter [tilespmem:s14], [sflag:$0x4], $0x400, s30, s13, $0x38;
	[tilespmem:$0x1E428] =	vst v63  }
0x1d7: {  	s29 =	sadd.s32 $0x20000, s3  }
0x1d8: {  	[hbm4b:s29+s13] =	stream.strided.scatter [tilespmem:s15], [sflag:$0x4], $0x400, s30, s13, $0x38;
	[tilespmem:$0x1E428] =	vst v63  }
0x1d9: {  	s26 =	sadd.s32 $0x40000, s3  }
0x1da: {  	[hbm4b:s26+s13] =	stream.strided.scatter [tilespmem:s16], [sflag:$0x4], $0x400, s30, s13, $0x38;
	[tilespmem:$0x1E428] =	vst v63  }
0x1db: {  	s29 =	sadd.s32 $0x60000, s3  }
0x1dc: {  	[hbm4b:s29+s13] =	stream.strided.scatter [tilespmem:s17], [sflag:$0x4], $0x400, s30, s13, $0x38;
	[tilespmem:$0x1E428] =	vst v63  }
0x1dd: {  	s3 =	sadd.s32 $0x80000, s3  }
0x1de: {  	[hbm4b:s3+s13] =	stream.strided.scatter [tilespmem:s18], [sflag:$0x4], $0x400, s30, s13, $0x38;
	[tilespmem:$0x1E428] =	vst v63  }
0x1df: {  	_ =	swait.ge [sflag:s19], $0x1400  }
0x1e0: {  	[sflag:s19] =	ssyncset.done $0x0  }
0x1e1: {  	s10 =	simm.s32 $0xA000;
	[sflag:s19] =	ssyncadd.s32 $0xFFFFEC00  }
0x1e2: {  	[tilespmem:s14], [sflag:$0x2] =	stream.indirect.gather [spmem:s2], $0x1, s10, s31, $0xb8;
	[tilespmem:$0x1E428] =	vst v63  }
0x1e3: {  	_ =	swait.ge [sflag:s20], $0x1400  }
0x1e4: {  	s26 =	rddreg [dreg:$0xd];
	[sflag:s20] =	ssyncset.done $0x0  }
0x1e5: {  	[sflag:s20] =	ssyncadd.s32 $0xFFFFEC00;
	s3 =	sadd.s32 s9, s26  }
0x1e6: {  	[hbm4b:s3+s13] =	stream.strided.scatter [tilespmem:s12], [sflag:$0x5], $0x400, s30, s13, $0x38;
	[tilespmem:$0x1E428] =	vst v63  }
0x1e7: {  	s29 =	sadd.s32 $0x20000, s3  }
0x1e8: {  	[hbm4b:s29+s13] =	stream.strided.scatter [tilespmem:s21], [sflag:$0x5], $0x400, s30, s13, $0x38;
	[tilespmem:$0x1E428] =	vst v63  }
0x1e9: {  	s26 =	sadd.s32 $0x40000, s3  }
0x1ea: {  	[hbm4b:s26+s13] =	stream.strided.scatter [tilespmem:s22], [sflag:$0x5], $0x400, s30, s13, $0x38;
	[tilespmem:$0x1E428] =	vst v63  }
0x1eb: {  	s29 =	sadd.s32 $0x60000, s3  }
0x1ec: {  	[hbm4b:s29+s13] =	stream.strided.scatter [tilespmem:s23], [sflag:$0x5], $0x400, s30, s13, $0x38;
	[tilespmem:$0x1E428] =	vst v63  }
0x1ed: {  	s3 =	sadd.s32 $0x80000, s3  }
0x1ee: {  	[hbm4b:s3+s13] =	stream.strided.scatter [tilespmem:s24], [sflag:$0x5], $0x400, s30, s13, $0x38;
	[tilespmem:$0x1E428] =	vst v63  }
0x1ef: {  	_ =	swait.ge [sflag:s25], $0x1400  }
0x1f0: {  	[sflag:s25] =	ssyncset.done $0x0  }
0x1f1: {  	s10 =	simm.s32 $0xB400;
	[sflag:s25] =	ssyncadd.s32 $0xFFFFEC00  }
0x1f2: {  	[tilespmem:s12], [sflag:$0x3] =	stream.indirect.gather [spmem:s2], $0x1, s10, s31, $0xb8;
	[tilespmem:$0x1E428] =	vst v63  }
0x1f3: {  	_ =	swait.ge [sflag:s11], $0x1400  }
0x1f4: {  	s26 =	rddreg [dreg:$0xe];
	[sflag:s11] =	ssyncset.done $0x0  }
0x1f5: {  	[sflag:s11] =	ssyncadd.s32 $0xFFFFEC00;
	s3 =	sadd.s32 s9, s26  }
0x1f6: {  	[hbm4b:s3+s13] =	stream.strided.scatter [tilespmem:s14], [sflag:$0x4], $0x400, s30, s13, $0x38;
	[tilespmem:$0x1E428] =	vst v63  }
0x1f7: {  	s29 =	sadd.s32 $0x20000, s3  }
0x1f8: {  	[hbm4b:s29+s13] =	stream.strided.scatter [tilespmem:s15], [sflag:$0x4], $0x400, s30, s13, $0x38;
	[tilespmem:$0x1E428] =	vst v63  }
0x1f9: {  	s26 =	sadd.s32 $0x40000, s3  }
0x1fa: {  	[hbm4b:s26+s13] =	stream.strided.scatter [tilespmem:s16], [sflag:$0x4], $0x400, s30, s13, $0x38;
	[tilespmem:$0x1E428] =	vst v63  }
0x1fb: {  	s29 =	sadd.s32 $0x60000, s3  }
0x1fc: {  	[hbm4b:s29+s13] =	stream.strided.scatter [tilespmem:s17], [sflag:$0x4], $0x400, s30, s13, $0x38;
	[tilespmem:$0x1E428] =	vst v63  }
0x1fd: {  	s3 =	sadd.s32 $0x80000, s3  }
0x1fe: {  	[hbm4b:s3+s13] =	stream.strided.scatter [tilespmem:s18], [sflag:$0x4], $0x400, s30, s13, $0x38;
	[tilespmem:$0x1E428] =	vst v63  }
0x1ff: {  	_ =	swait.ge [sflag:s20], $0x1400  }
0x200: {  	s10 =	rddreg [dreg:$0xf];
	[sflag:s20] =	ssyncset.done $0x0  }
0x201: {  	s7 =	sadd.s32 $0x10, s7;
	[sflag:s20] =	ssyncadd.s32 $0xFFFFEC00;
	s3 =	sadd.s32 s9, s10  }
0x202: {  	[hbm4b:s3+s13] =	stream.strided.scatter [tilespmem:s12], [sflag:$0x5], $0x400, s30, s13, $0x38;
	[tilespmem:$0x1E428] =	vst v63  }
0x203: {  	p1 =	sne.s32 s7, $0x200;
	s9 =	sadd.s32 $0x20000, s3  }
0x204: {  	[hbm4b:s9+s13] =	stream.strided.scatter [tilespmem:s21], [sflag:$0x5], $0x400, s30, s13, $0x38;
	[tilespmem:$0x1E428] =	vst v63  }
.Ltmp0:
0x205: {  	s5 =	sshrl.u32 @!p0 s8, $0x3;
	(pc) =	sbr.rel @p1 .LBB2_2-.Ltmp0, $4  }
0x206: {  	s8 =	sadd.s32 $0x1, s8;
	s6 =	sadd.s32 $0x80, s6;
	s26 =	sadd.s32 $0x40000, s3  }
0x207: {  	[hbm4b:s26+s13] =	stream.strided.scatter [tilespmem:s22], [sflag:$0x5], $0x400, s30, s13, $0x38;
	[tilespmem:$0x1E428] =	vst v63  }
0x208: {  	s4 =	sadd.s32 $0x800, s4;
	s29 =	sadd.s32 $0x60000, s3;
	s9 =	sadd.s32 $0x80000, s3  }
0x209: {  	[hbm4b:s29+s13] =	stream.strided.scatter [tilespmem:s23], [sflag:$0x5], $0x400, s30, s13, $0x38;
	[tilespmem:$0x1E428] =	vst v63  }
0x20a: {  	[hbm4b:s9+s13] =	stream.strided.scatter [tilespmem:s24], [sflag:$0x5], $0x400, s30, s13, $0x38;
	[tilespmem:$0x1E428] =	vst v63  }
0x20b: {  	s1 =	smul.u32 @!p0 $0x7A1400, s5  }
0x20c: {  	s3 =	sand.u32 @!p0 $0x380, s6  }
0x20d: {  	s6 =	simm.s32 @!p0 $0x10;
	[bflag:$0x0] =	sbarrier.arrive $0xFFFF;
	s1 =	sor.u32 @!p0 s3, s1  }
0x20e: {  	s7 =	simm.s32 @!p0 $0x80;
	s5 =	rddreg [dreg:$0x5];
	s1 =	sshrl.u32 @!p0 s1, $0x3  }
0x20f: {  	s3 =	simm.s32 @!p0 $0x1C01;
	s1 =	sadd.s32 @!p0 s5, s1;
	s5 =	simm.s32 @!p0 $0x1  }
0x210: {  	[spmem:s28@s6], [sflag:s3] =	dma.strided @!p0 [hbm:s1@s7], $0x1E850, s5, $0x10   }
0x211: {  	_ =	swait.ge @!p0 [sflag:s5], $0x1E850  }
0x212: {  	p1 =	seq.s32 s0, $0x0;
	[sflag:s5] =	ssyncset.done @!p0 $0x0  }
0x213: {  	s1 =	simm.s32 @p1 $0x1400;
	[sflag:s5] =	ssyncadd.s32 @!p0 $0xFFFE17B0  }
0x214: {  	s3 =	simm.s32 @p1 $0x0;
	s5 =	simm.s32 @p1 $0xC800;
	[bflag:$0x0] =	sbarrier.arrive $0xFFFF  }
0x215: {  	[tilespmem:s5], [sflag:$0x2] =	stream.indirect.gather @p1 [spmem:s2], $0x1, s3, s1, $0xb8;
	[tilespmem:$0x1E428] =	vst v63  }
0x216: {  	s1 =	simm.s32 @!p1 $0x4  }
0x217: {  	_ =	swait.ge @!p1 [sflag:s1], $0x1400  }
0x218: {  	s3 =	simm.s32 @!p1 $0xC800;
	[sflag:s1] =	ssyncset.done @!p1 $0x0  }
0x219: {  	s5 =	simm.s32 @!p1 $0x1400;
	[sflag:s1] =	ssyncadd.s32 @!p1 $0xFFFFEC00;
	s1 =	simm.s32 @!p1 $0x0  }
0x21a: {  	[tilespmem:s3], [sflag:$0x2] =	stream.indirect.gather @!p1 [spmem:s2], $0x1, s1, s5, $0xb8;
	[tilespmem:$0x1E428] =	vst v63  }
0x21b: {  	s1 =	simm.s32 @!p1 $0x5  }
0x21c: {  	_ =	swait.ge @!p1 [sflag:s1], $0x1400  }
0x21d: {  	[sflag:s1] =	ssyncset.done @!p1 $0x0  }
0x21e: {  	[sflag:s1] =	ssyncadd.s32 @!p1 $0xFFFFEC00  }
0x21f: {  	[tilespmem:s12], [sflag:$0x3] =	stream.indirect.gather [spmem:s2], $0x1, s31, s31, $0xb8;
	[tilespmem:$0x1E428] =	vst v63  }
0x220: {  	_ =	swait.ge [sflag:s11], $0x1400  }
0x221: {  	s29 =	sand.u32 $0x1C000, s4;
	s28 =	rddreg [dreg:$0x6];
	[sflag:s11] =	ssyncset.done $0x0  }
0x222: {  	s4 =	sand.u32 $0x70, s0;
	s1 =	sor.u32 s28, s29;
	[sflag:s11] =	ssyncadd.s32 $0xFFFFEC00  }
0x223: {  	s0 =	sor.u32 s4, s1;
	s5 =	rddreg [dreg:$0x2]  }
0x224: {  	s1 =	sadd.s32 s5, s0  }
0x225: {  	[hbm4b:s1+s13] =	stream.strided.scatter [tilespmem:s14], [sflag:$0x4], $0x400, s30, s13, $0x38;
	[tilespmem:$0x1E428] =	vst v63  }
0x226: {  	s6 =	sadd.s32 $0x20000, s1  }
0x227: {  	[hbm4b:s6+s13] =	stream.strided.scatter [tilespmem:s15], [sflag:$0x4], $0x400, s30, s13, $0x38;
	[tilespmem:$0x1E428] =	vst v63  }
0x228: {  	s7 =	sadd.s32 $0x40000, s1  }
0x229: {  	[hbm4b:s7+s13] =	stream.strided.scatter [tilespmem:s16], [sflag:$0x4], $0x400, s30, s13, $0x38;
	[tilespmem:$0x1E428] =	vst v63  }
0x22a: {  	s8 =	sadd.s32 $0x60000, s1  }
0x22b: {  	[hbm4b:s8+s13] =	stream.strided.scatter [tilespmem:s17], [sflag:$0x4], $0x400, s30, s13, $0x38;
	[tilespmem:$0x1E428] =	vst v63  }
0x22c: {  	s1 =	sadd.s32 $0x80000, s1  }
0x22d: {  	[hbm4b:s1+s13] =	stream.strided.scatter [tilespmem:s18], [sflag:$0x4], $0x400, s30, s13, $0x38;
	[tilespmem:$0x1E428] =	vst v63  }
0x22e: {  	_ =	swait.ge [sflag:s19], $0x1400  }
0x22f: {  	[sflag:s19] =	ssyncset.done $0x0  }
0x230: {  	s9 =	simm.s32 $0x2800;
	[sflag:s19] =	ssyncadd.s32 $0xFFFFEC00  }
0x231: {  	[tilespmem:s14], [sflag:$0x2] =	stream.indirect.gather [spmem:s2], $0x1, s9, s31, $0xb8;
	[tilespmem:$0x1E428] =	vst v63  }
0x232: {  	_ =	swait.ge [sflag:s20], $0x1400  }
0x233: {  	s10 =	rddreg [dreg:$0x7];
	[sflag:s20] =	ssyncset.done $0x0  }
0x234: {  	[sflag:s20] =	ssyncadd.s32 $0xFFFFEC00;
	s1 =	sadd.s32 s0, s10  }
0x235: {  	[hbm4b:s1+s13] =	stream.strided.scatter [tilespmem:s12], [sflag:$0x5], $0x400, s30, s13, $0x38;
	[tilespmem:$0x1E428] =	vst v63  }
0x236: {  	s26 =	sadd.s32 $0x20000, s1  }
0x237: {  	[hbm4b:s26+s13] =	stream.strided.scatter [tilespmem:s21], [sflag:$0x5], $0x400, s30, s13, $0x38;
	[tilespmem:$0x1E428] =	vst v63  }
0x238: {  	s28 =	sadd.s32 $0x40000, s1  }
0x239: {  	[hbm4b:s28+s13] =	stream.strided.scatter [tilespmem:s22], [sflag:$0x5], $0x400, s30, s13, $0x38;
	[tilespmem:$0x1E428] =	vst v63  }
0x23a: {  	s29 =	sadd.s32 $0x60000, s1  }
0x23b: {  	[hbm4b:s29+s13] =	stream.strided.scatter [tilespmem:s23], [sflag:$0x5], $0x400, s30, s13, $0x38;
	[tilespmem:$0x1E428] =	vst v63  }
0x23c: {  	s1 =	sadd.s32 $0x80000, s1  }
0x23d: {  	[hbm4b:s1+s13] =	stream.strided.scatter [tilespmem:s24], [sflag:$0x5], $0x400, s30, s13, $0x38;
	[tilespmem:$0x1E428] =	vst v63  }
0x23e: {  	_ =	swait.ge [sflag:s25], $0x1400  }
0x23f: {  	[sflag:s25] =	ssyncset.done $0x0  }
0x240: {  	s4 =	simm.s32 $0x3C00;
	[sflag:s25] =	ssyncadd.s32 $0xFFFFEC00  }
0x241: {  	[tilespmem:s12], [sflag:$0x3] =	stream.indirect.gather [spmem:s2], $0x1, s4, s31, $0xb8;
	[tilespmem:$0x1E428] =	vst v63  }
0x242: {  	_ =	swait.ge [sflag:s11], $0x1400  }
0x243: {  	s5 =	rddreg [dreg:$0x8];
	[sflag:s11] =	ssyncset.done $0x0  }
0x244: {  	[sflag:s11] =	ssyncadd.s32 $0xFFFFEC00;
	s1 =	sadd.s32 s0, s5  }
0x245: {  	[hbm4b:s1+s13] =	stream.strided.scatter [tilespmem:s14], [sflag:$0x4], $0x400, s30, s13, $0x38;
	[tilespmem:$0x1E428] =	vst v63  }
0x246: {  	s6 =	sadd.s32 $0x20000, s1  }
0x247: {  	[hbm4b:s6+s13] =	stream.strided.scatter [tilespmem:s15], [sflag:$0x4], $0x400, s30, s13, $0x38;
	[tilespmem:$0x1E428] =	vst v63  }
0x248: {  	s7 =	sadd.s32 $0x40000, s1  }
0x249: {  	[hbm4b:s7+s13] =	stream.strided.scatter [tilespmem:s16], [sflag:$0x4], $0x400, s30, s13, $0x38;
	[tilespmem:$0x1E428] =	vst v63  }
0x24a: {  	s8 =	sadd.s32 $0x60000, s1  }
0x24b: {  	[hbm4b:s8+s13] =	stream.strided.scatter [tilespmem:s17], [sflag:$0x4], $0x400, s30, s13, $0x38;
	[tilespmem:$0x1E428] =	vst v63  }
0x24c: {  	s1 =	sadd.s32 $0x80000, s1  }
0x24d: {  	[hbm4b:s1+s13] =	stream.strided.scatter [tilespmem:s18], [sflag:$0x4], $0x400, s30, s13, $0x38;
	[tilespmem:$0x1E428] =	vst v63  }
0x24e: {  	_ =	swait.ge [sflag:s19], $0x1400  }
0x24f: {  	[sflag:s19] =	ssyncset.done $0x0  }
0x250: {  	s9 =	simm.s32 $0x5000;
	[sflag:s19] =	ssyncadd.s32 $0xFFFFEC00  }
0x251: {  	[tilespmem:s14], [sflag:$0x2] =	stream.indirect.gather [spmem:s2], $0x1, s9, s31, $0xb8;
	[tilespmem:$0x1E428] =	vst v63  }
0x252: {  	_ =	swait.ge [sflag:s20], $0x1400  }
0x253: {  	s10 =	rddreg [dreg:$0x9];
	[sflag:s20] =	ssyncset.done $0x0  }
0x254: {  	[sflag:s20] =	ssyncadd.s32 $0xFFFFEC00;
	s1 =	sadd.s32 s0, s10  }
0x255: {  	[hbm4b:s1+s13] =	stream.strided.scatter [tilespmem:s12], [sflag:$0x5], $0x400, s30, s13, $0x38;
	[tilespmem:$0x1E428] =	vst v63  }
0x256: {  	s26 =	sadd.s32 $0x20000, s1  }
0x257: {  	[hbm4b:s26+s13] =	stream.strided.scatter [tilespmem:s21], [sflag:$0x5], $0x400, s30, s13, $0x38;
	[tilespmem:$0x1E428] =	vst v63  }
0x258: {  	s28 =	sadd.s32 $0x40000, s1  }
0x259: {  	[hbm4b:s28+s13] =	stream.strided.scatter [tilespmem:s22], [sflag:$0x5], $0x400, s30, s13, $0x38;
	[tilespmem:$0x1E428] =	vst v63  }
0x25a: {  	s29 =	sadd.s32 $0x60000, s1  }
0x25b: {  	[hbm4b:s29+s13] =	stream.strided.scatter [tilespmem:s23], [sflag:$0x5], $0x400, s30, s13, $0x38;
	[tilespmem:$0x1E428] =	vst v63  }
0x25c: {  	s1 =	sadd.s32 $0x80000, s1  }
0x25d: {  	[hbm4b:s1+s13] =	stream.strided.scatter [tilespmem:s24], [sflag:$0x5], $0x400, s30, s13, $0x38;
	[tilespmem:$0x1E428] =	vst v63  }
0x25e: {  	_ =	swait.ge [sflag:s25], $0x1400  }
0x25f: {  	[sflag:s25] =	ssyncset.done $0x0  }
0x260: {  	s4 =	simm.s32 $0x6400;
	[sflag:s25] =	ssyncadd.s32 $0xFFFFEC00  }
0x261: {  	[tilespmem:s12], [sflag:$0x3] =	stream.indirect.gather [spmem:s2], $0x1, s4, s31, $0xb8;
	[tilespmem:$0x1E428] =	vst v63  }
0x262: {  	_ =	swait.ge [sflag:s11], $0x1400  }
0x263: {  	s5 =	rddreg [dreg:$0xa];
	[sflag:s11] =	ssyncset.done $0x0  }
0x264: {  	[sflag:s11] =	ssyncadd.s32 $0xFFFFEC00;
	s1 =	sadd.s32 s0, s5  }
0x265: {  	[hbm4b:s1+s13] =	stream.strided.scatter [tilespmem:s14], [sflag:$0x4], $0x400, s30, s13, $0x38;
	[tilespmem:$0x1E428] =	vst v63  }
0x266: {  	s6 =	sadd.s32 $0x20000, s1  }
0x267: {  	[hbm4b:s6+s13] =	stream.strided.scatter [tilespmem:s15], [sflag:$0x4], $0x400, s30, s13, $0x38;
	[tilespmem:$0x1E428] =	vst v63  }
0x268: {  	s7 =	sadd.s32 $0x40000, s1  }
0x269: {  	[hbm4b:s7+s13] =	stream.strided.scatter [tilespmem:s16], [sflag:$0x4], $0x400, s30, s13, $0x38;
	[tilespmem:$0x1E428] =	vst v63  }
0x26a: {  	s8 =	sadd.s32 $0x60000, s1  }
0x26b: {  	[hbm4b:s8+s13] =	stream.strided.scatter [tilespmem:s17], [sflag:$0x4], $0x400, s30, s13, $0x38;
	[tilespmem:$0x1E428] =	vst v63  }
0x26c: {  	s1 =	sadd.s32 $0x80000, s1  }
0x26d: {  	[hbm4b:s1+s13] =	stream.strided.scatter [tilespmem:s18], [sflag:$0x4], $0x400, s30, s13, $0x38;
	[tilespmem:$0x1E428] =	vst v63  }
0x26e: {  	_ =	swait.ge [sflag:s19], $0x1400  }
0x26f: {  	[sflag:s19] =	ssyncset.done $0x0  }
0x270: {  	s9 =	simm.s32 $0x7800;
	[sflag:s19] =	ssyncadd.s32 $0xFFFFEC00  }
0x271: {  	[tilespmem:s14], [sflag:$0x2] =	stream.indirect.gather [spmem:s2], $0x1, s9, s31, $0xb8;
	[tilespmem:$0x1E428] =	vst v63  }
0x272: {  	_ =	swait.ge [sflag:s20], $0x1400  }
0x273: {  	s10 =	rddreg [dreg:$0xb];
	[sflag:s20] =	ssyncset.done $0x0  }
0x274: {  	[sflag:s20] =	ssyncadd.s32 $0xFFFFEC00;
	s1 =	sadd.s32 s0, s10  }
0x275: {  	[hbm4b:s1+s13] =	stream.strided.scatter [tilespmem:s12], [sflag:$0x5], $0x400, s30, s13, $0x38;
	[tilespmem:$0x1E428] =	vst v63  }
0x276: {  	s26 =	sadd.s32 $0x20000, s1  }
0x277: {  	[hbm4b:s26+s13] =	stream.strided.scatter [tilespmem:s21], [sflag:$0x5], $0x400, s30, s13, $0x38;
	[tilespmem:$0x1E428] =	vst v63  }
0x278: {  	s28 =	sadd.s32 $0x40000, s1  }
0x279: {  	[hbm4b:s28+s13] =	stream.strided.scatter [tilespmem:s22], [sflag:$0x5], $0x400, s30, s13, $0x38;
	[tilespmem:$0x1E428] =	vst v63  }
0x27a: {  	s29 =	sadd.s32 $0x60000, s1  }
0x27b: {  	[hbm4b:s29+s13] =	stream.strided.scatter [tilespmem:s23], [sflag:$0x5], $0x400, s30, s13, $0x38;
	[tilespmem:$0x1E428] =	vst v63  }
0x27c: {  	s1 =	sadd.s32 $0x80000, s1  }
0x27d: {  	[hbm4b:s1+s13] =	stream.strided.scatter [tilespmem:s24], [sflag:$0x5], $0x400, s30, s13, $0x38;
	[tilespmem:$0x1E428] =	vst v63  }
0x27e: {  	_ =	swait.ge [sflag:s25], $0x1400  }
0x27f: {  	[sflag:s25] =	ssyncset.done $0x0  }
0x280: {  	s4 =	simm.s32 $0x8C00;
	[sflag:s25] =	ssyncadd.s32 $0xFFFFEC00  }
0x281: {  	[tilespmem:s12], [sflag:$0x3] =	stream.indirect.gather [spmem:s2], $0x1, s4, s31, $0xb8;
	[tilespmem:$0x1E428] =	vst v63  }
0x282: {  	_ =	swait.ge [sflag:s11], $0x1400  }
0x283: {  	s5 =	rddreg [dreg:$0xc];
	[sflag:s11] =	ssyncset.done $0x0  }
0x284: {  	[sflag:s11] =	ssyncadd.s32 $0xFFFFEC00;
	s1 =	sadd.s32 s0, s5  }
0x285: {  	[hbm4b:s1+s13] =	stream.strided.scatter [tilespmem:s14], [sflag:$0x4], $0x400, s30, s13, $0x38;
	[tilespmem:$0x1E428] =	vst v63  }
0x286: {  	s6 =	sadd.s32 $0x20000, s1  }
0x287: {  	[hbm4b:s6+s13] =	stream.strided.scatter [tilespmem:s15], [sflag:$0x4], $0x400, s30, s13, $0x38;
	[tilespmem:$0x1E428] =	vst v63  }
0x288: {  	s7 =	sadd.s32 $0x40000, s1  }
0x289: {  	[hbm4b:s7+s13] =	stream.strided.scatter [tilespmem:s16], [sflag:$0x4], $0x400, s30, s13, $0x38;
	[tilespmem:$0x1E428] =	vst v63  }
0x28a: {  	s8 =	sadd.s32 $0x60000, s1  }
0x28b: {  	[hbm4b:s8+s13] =	stream.strided.scatter [tilespmem:s17], [sflag:$0x4], $0x400, s30, s13, $0x38;
	[tilespmem:$0x1E428] =	vst v63  }
0x28c: {  	s1 =	sadd.s32 $0x80000, s1  }
0x28d: {  	[hbm4b:s1+s13] =	stream.strided.scatter [tilespmem:s18], [sflag:$0x4], $0x400, s30, s13, $0x38;
	[tilespmem:$0x1E428] =	vst v63  }
0x28e: {  	_ =	swait.ge [sflag:s19], $0x1400  }
0x28f: {  	[sflag:s19] =	ssyncset.done $0x0  }
0x290: {  	s9 =	simm.s32 $0xA000;
	[sflag:s19] =	ssyncadd.s32 $0xFFFFEC00  }
0x291: {  	[tilespmem:s14], [sflag:$0x2] =	stream.indirect.gather [spmem:s2], $0x1, s9, s31, $0xb8;
	[tilespmem:$0x1E428] =	vst v63  }
0x292: {  	_ =	swait.ge [sflag:s20], $0x1400  }
0x293: {  	s10 =	rddreg [dreg:$0xd];
	[sflag:s20] =	ssyncset.done $0x0  }
0x294: {  	[sflag:s20] =	ssyncadd.s32 $0xFFFFEC00;
	s1 =	sadd.s32 s0, s10  }
0x295: {  	[hbm4b:s1+s13] =	stream.strided.scatter [tilespmem:s12], [sflag:$0x5], $0x400, s30, s13, $0x38;
	[tilespmem:$0x1E428] =	vst v63  }
0x296: {  	s26 =	sadd.s32 $0x20000, s1  }
0x297: {  	[hbm4b:s26+s13] =	stream.strided.scatter [tilespmem:s21], [sflag:$0x5], $0x400, s30, s13, $0x38;
	[tilespmem:$0x1E428] =	vst v63  }
0x298: {  	s28 =	sadd.s32 $0x40000, s1  }
0x299: {  	[hbm4b:s28+s13] =	stream.strided.scatter [tilespmem:s22], [sflag:$0x5], $0x400, s30, s13, $0x38;
	[tilespmem:$0x1E428] =	vst v63  }
0x29a: {  	s29 =	sadd.s32 $0x60000, s1  }
0x29b: {  	[hbm4b:s29+s13] =	stream.strided.scatter [tilespmem:s23], [sflag:$0x5], $0x400, s30, s13, $0x38;
	[tilespmem:$0x1E428] =	vst v63  }
0x29c: {  	s1 =	sadd.s32 $0x80000, s1  }
0x29d: {  	[hbm4b:s1+s13] =	stream.strided.scatter [tilespmem:s24], [sflag:$0x5], $0x400, s30, s13, $0x38;
	[tilespmem:$0x1E428] =	vst v63  }
0x29e: {  	_ =	swait.ge [sflag:s25], $0x1400  }
0x29f: {  	[sflag:s25] =	ssyncset.done $0x0  }
0x2a0: {  	s4 =	simm.s32 $0xB400;
	[sflag:s25] =	ssyncadd.s32 $0xFFFFEC00  }
0x2a1: {  	[tilespmem:s12], [sflag:$0x3] =	stream.indirect.gather [spmem:s2], $0x1, s4, s31, $0xb8;
	[tilespmem:$0x1E428] =	vst v63  }
0x2a2: {  	_ =	swait.ge [sflag:s11], $0x1400  }
0x2a3: {  	s5 =	rddreg [dreg:$0xe];
	[sflag:s11] =	ssyncset.done $0x0  }
0x2a4: {  	[sflag:s11] =	ssyncadd.s32 $0xFFFFEC00;
	s1 =	sadd.s32 s0, s5  }
0x2a5: {  	[hbm4b:s1+s13] =	stream.strided.scatter [tilespmem:s14], [sflag:$0x4], $0x400, s30, s13, $0x38;
	[tilespmem:$0x1E428] =	vst v63  }
0x2a6: {  	s6 =	sadd.s32 $0x20000, s1  }
0x2a7: {  	[hbm4b:s6+s13] =	stream.strided.scatter [tilespmem:s15], [sflag:$0x4], $0x400, s30, s13, $0x38;
	[tilespmem:$0x1E428] =	vst v63  }
0x2a8: {  	s7 =	sadd.s32 $0x40000, s1  }
0x2a9: {  	[hbm4b:s7+s13] =	stream.strided.scatter [tilespmem:s16], [sflag:$0x4], $0x400, s30, s13, $0x38;
	[tilespmem:$0x1E428] =	vst v63  }
0x2aa: {  	s8 =	sadd.s32 $0x60000, s1  }
0x2ab: {  	[hbm4b:s8+s13] =	stream.strided.scatter [tilespmem:s17], [sflag:$0x4], $0x400, s30, s13, $0x38;
	[tilespmem:$0x1E428] =	vst v63  }
0x2ac: {  	s1 =	sadd.s32 $0x80000, s1  }
0x2ad: {  	[hbm4b:s1+s13] =	stream.strided.scatter [tilespmem:s18], [sflag:$0x4], $0x400, s30, s13, $0x38;
	[tilespmem:$0x1E428] =	vst v63  }
0x2ae: {  	_ =	swait.ge [sflag:s20], $0x1400  }
0x2af: {  	s9 =	rddreg [dreg:$0xf];
	[sflag:s20] =	ssyncset.done $0x0  }
0x2b0: {  	[sflag:s20] =	ssyncadd.s32 $0xFFFFEC00;
	s0 =	sadd.s32 s0, s9  }
0x2b1: {  	[hbm4b:s0+s13] =	stream.strided.scatter [tilespmem:s12], [sflag:$0x5], $0x400, s30, s13, $0x38;
	[tilespmem:$0x1E428] =	vst v63  }
0x2b2: {  	s1 =	sadd.s32 $0x20000, s0  }
0x2b3: {  	[hbm4b:s1+s13] =	stream.strided.scatter [tilespmem:s21], [sflag:$0x5], $0x400, s30, s13, $0x38;
	[tilespmem:$0x1E428] =	vst v63  }
0x2b4: {  	s10 =	sadd.s32 $0x40000, s0  }
0x2b5: {  	[hbm4b:s10+s13] =	stream.strided.scatter [tilespmem:s22], [sflag:$0x5], $0x400, s30, s13, $0x38;
	[tilespmem:$0x1E428] =	vst v63  }
0x2b6: {  	s26 =	sadd.s32 $0x60000, s0  }
0x2b7: {  	[hbm4b:s26+s13] =	stream.strided.scatter [tilespmem:s23], [sflag:$0x5], $0x400, s30, s13, $0x38;
	[tilespmem:$0x1E428] =	vst v63  }
0x2b8: {  	s0 =	sadd.s32 $0x80000, s0  }
0x2b9: {  	[hbm4b:s0+s13] =	stream.strided.scatter [tilespmem:s24], [sflag:$0x5], $0x400, s30, s13, $0x38;
	[tilespmem:$0x1E428] =	vst v63  }
0x2ba: {  	[bflag:$0x0] =	sbarrier.arrive $0xFFFF  }
0x2bb: {  	_ =	swait.ge [sflag:s19], $0x1400  }
0x2bc: {  	[sflag:s19] =	ssyncset.done $0x0  }
0x2bd: {  	[sflag:s19] =	ssyncadd.s32 $0xFFFFEC00  }
0x2be: {  	_ =	swait.ge [sflag:s25], $0x1400  }
0x2bf: {  	s28 =	sld [smem:$0x7D8]  }
0x2c0: {  	s29 =	sld [smem:$0x7FB];
	_ =	sdelay $0x1  }
0x2c1: {  	s1 =	sadd.s32 $0x1, s28  }
0x2c2: {  	p1 =	sne.s32 s1, s29  }
.Ltmp1:
0x2c3: {  	_ = 	snop;
	(pc) =	sbr.rel @p1 .LBB2_1-.Ltmp1, $3  }
0x2c4: {  	_ =	sdelay $0x1  }
0x2c5: {  	[sflag:s25] =	ssyncset.done $0x0  }
0x2c6: {  	[sflag:s25] =	ssyncadd.s32 $0xFFFFEC00  }
0x2c7: {  	_ =	sfence.sel $0x180000  }
0x2c8: {  	[bflag:$0x0] =	sbarrier.arrive $0xFFFF  }
0x2c9: {  	_ =	strace $0x90000047  }
0x2ca: {  	[bflag:$0x2] =	sbarrier.arrive $0xFFFF  }
0x2cb: {  	s0 =	rddreg [dreg:$0x4]  }
0x2cc: {  	s0 =	sadd.s32 @!p0 $0x100000, s0  }
0x2cd: {  	[sflag:s0] =	ssyncadd.tile.s32 @!p0 $0x1;
	_ =	shalt  }
.Lfunc_end2:
_tile_overlayer_lowered:
.L_overlay_start_2:
0x2ce: {  	(tag) =	ssettag $0x2  }
0x2cf: {  	s0 =	rddreg [dreg:$0x0];
	s2 =	stileid.u32  }
0x2d0: {  	s1 =	rddreg [dreg:$0x1];
	p0 =	sne.s32 s2, $0x0  }
0x2d1: {  	s3 =	rddreg [dreg:$0x2];
	[bflag:$0x3] =	sbarrier.arrive $0xFFFF;
	s2 =	simm.s32 @!p0 $0x1C06  }
0x2d2: {  	[timem:s3], [sflag:s2] =	dma.local @!p0 [hbm:s0], s1  }
0x2d3: {  	s0 =	simm.s32 @!p0 $0x6  }
0x2d4: {  	_ =	swait.ge @!p0 [sflag:s0], s1  }
0x2d5: {  	s1 =	ssub.s32 @!p0 $0x0, s1;
	[sflag:s0] =	ssyncset.done @!p0 $0x0  }
0x2d6: {  	[sflag:s0] =	ssyncadd.s32 @!p0 s1  }
0x2d7: {  	[bflag:$0x3] =	sbarrier.arrive $0xFFFF  }
0x2d8: {  	_ =	shalt  }

</sc_bundles>
